<compile_context>
chip_gen: v7x
topology: tpu7x:2x2x1
jax: 0.10.2.dev20260603
libtpu: 0.0.44.dev20260713+nightly
codegen_flags: <defaults>
</compile_context>

<pallas_src>
import functools

import jax
import jax.numpy as jnp
import numpy as np
from jax import lax
from jax.experimental import pallas as pl
from jax.experimental.pallas import tpu as pltpu
from jax.experimental.pallas import tpu_sc as plsc

B, L, K = 2, 512, 30
NUM_RBF = 16
NUM_POS = 16
MAXREL = 32
D_POS = 2 * MAXREL + 2
PACK = 16
_OFF = {"N": 0, "Ca": 3, "C": 6, "O": 9, "Cb": 12}
_PAIRS = [("Ca", "Ca"), ("N", "N"), ("C", "C"), ("O", "O"), ("Cb", "Cb"),
          ("Ca", "N"), ("Ca", "C"), ("Ca", "O"), ("Ca", "Cb"), ("N", "C"),
          ("N", "O"), ("N", "Cb"), ("Cb", "C"), ("Cb", "O"), ("O", "C"),
          ("N", "Ca"), ("C", "Ca"), ("O", "Ca"), ("Cb", "Ca"), ("C", "N"),
          ("O", "N"), ("Cb", "N"), ("C", "Cb"), ("O", "Cb"), ("C", "O")]
_MU = np.linspace(2.0, 22.0, NUM_RBF).astype(np.float32)
_SIG = (22.0 - 2.0) / NUM_RBF
_NP = len(_PAIRS)

_SA = np.zeros((PACK, 3 * _NP), np.float32)
_SB = np.zeros((PACK, 3 * _NP), np.float32)
_M3 = np.zeros((3 * _NP, _NP), np.float32)
for _p, (_an, _bn) in enumerate(_PAIRS):
    for _c in range(3):
        _SA[_OFF[_an] + _c, 3 * _p + _c] = 1.0
        _SB[_OFF[_bn] + _c, 3 * _p + _c] = 1.0
        _M3[3 * _p + _c, _p] = 1.0
_REP = np.zeros((_NP, _NP * NUM_RBF), np.float32)
for _p in range(_NP):
    _REP[_p, _p * NUM_RBF:(_p + 1) * NUM_RBF] = 1.0
_MU400 = np.tile(_MU, _NP)[None, :]


def _prep_body(x_ref, cat_ref, coords_ref, eidx_ref, gall_ref, dpos_ref):
    b = pl.program_id(0)
    x = x_ref[0]
    n = x[:, 0:3]
    ca = x[:, 3:6]
    c = x[:, 6:9]
    o = x[:, 9:12]
    bv = ca - n
    cv = c - ca
    ax = bv[:, 1:2] * cv[:, 2:3] - bv[:, 2:3] * cv[:, 1:2]
    ay = bv[:, 2:3] * cv[:, 0:1] - bv[:, 0:1] * cv[:, 2:3]
    az = bv[:, 0:1] * cv[:, 1:2] - bv[:, 1:2] * cv[:, 0:1]
    a = jnp.concatenate([ax, ay, az], axis=1)
    cb = -0.58273431 * a + 0.56802827 * bv - 0.54067466 * cv + ca
    coords_ref[0] = jnp.concatenate(
        [n, ca, c, o, cb, jnp.zeros((L, 1), jnp.float32)], axis=1)

    acc = jnp.zeros((L, L), jnp.float32)
    for cc in range(3):
        col = ca[:, cc:cc + 1]
        row = cat_ref[0, cc:cc + 1, :]
        d = col - row
        acc = acc + d * d
    dist = jnp.sqrt(acc + 1e-6)

    iota_j = lax.broadcasted_iota(jnp.int32, (L, L), 1)
    idxs = []
    work = dist
    for _ in range(K):
        m = jnp.min(work, axis=1, keepdims=True)
        hit = work == m
        idx = jnp.min(jnp.where(hit, iota_j, L + 1), axis=1, keepdims=True)
        idxs.append(idx)
        work = jnp.where(iota_j == idx, jnp.float32(jnp.inf), work)
    eidx = jnp.concatenate(idxs, axis=1)
    eidx_ref[0] = eidx
    i_col = lax.broadcasted_iota(jnp.int32, (L, 1), 0)
    gall_ref[0, 0] = eidx + b * L
    gall_ref[0, 1] = jnp.broadcast_to(i_col + b * L, (L, K))
    dpos_ref[0] = jnp.clip(i_col - eidx + MAXREL, 0, 2 * MAXREL)


def _prep(x12, cat):
    return pl.pallas_call(
        _prep_body,
        grid=(B,),
        compiler_params=pltpu.CompilerParams(
            dimension_semantics=("parallel",)),
        in_specs=[
            pl.BlockSpec((1, L, 12), lambda b: (b, 0, 0)),
            pl.BlockSpec((1, 3, L), lambda b: (b, 0, 0)),
        ],
        out_specs=[
            pl.BlockSpec((1, L, PACK), lambda b: (b, 0, 0)),
            pl.BlockSpec((1, L, K), lambda b: (b, 0, 0)),
            pl.BlockSpec((1, 2, L, K), lambda b: (b, 0, 0, 0)),
            pl.BlockSpec((1, L, K), lambda b: (b, 0, 0)),
        ],
        out_shape=[
            jax.ShapeDtypeStruct((B, L, PACK), jnp.float32),
            jax.ShapeDtypeStruct((B, L, K), jnp.int32),
            jax.ShapeDtypeStruct((B, 2, L, K), jnp.int32),
            jax.ShapeDtypeStruct((B, L, K), jnp.int32),
        ],
    )(x12, cat)


def _gather_rows(table, idx):
    info = plsc.get_sparse_core_info()
    nw = info.num_cores * info.num_subcores
    n, d = idx.shape[0], table.shape[1]
    b_per_w = n // nw
    nc = info.num_cores

    @functools.partial(
        pl.kernel,
        mesh=plsc.VectorSubcoreMesh(core_axis_name="c", subcore_axis_name="s"),
        compiler_params=pltpu.CompilerParams(use_tc_tiling_on_sc=False),
        out_type=jax.ShapeDtypeStruct((n, d), table.dtype),
        scratch_types=[
            pltpu.VMEM((b_per_w,), jnp.int32),
            pltpu.VMEM((b_per_w, d), table.dtype),
            pltpu.SemaphoreType.DMA,
        ],
    )
    def gk(table_hbm, idx_hbm, out_hbm, idx_v, rows_v, sem):
        wid = lax.axis_index("s") * nc + lax.axis_index("c")
        base = wid * b_per_w
        pltpu.sync_copy(idx_hbm.at[pl.ds(base, b_per_w)], idx_v)
        pltpu.async_copy(table_hbm.at[idx_v], rows_v, sem).wait()
        pltpu.sync_copy(rows_v, out_hbm.at[pl.ds(base, b_per_w)])

    return gk(table, idx)


_RE = 128


def _edge_body(self_ref, nbr_ref, dpos_ref, wpos_ref, bpos_ref, wedge_ref,
               g_ref, b_ref, sa_ref, sb_ref, m3_ref, rep_ref, mu4_ref, e_ref):
    rk = _RE * K
    self_c = self_ref[...]
    nbr = nbr_ref[...]

    dpos = dpos_ref[...]
    iota_d = lax.broadcasted_iota(jnp.int32, (rk, D_POS), 1)
    oh = (dpos == iota_d).astype(jnp.float32)
    we0 = wedge_ref[0:NUM_POS, :]
    w0 = jnp.dot(wpos_ref[...], we0, preferred_element_type=jnp.float32)
    e = (jnp.dot(oh, w0, preferred_element_type=jnp.float32)
         + jnp.dot(bpos_ref[...], we0, preferred_element_type=jnp.float32))

    u = (jnp.dot(self_c, sa_ref[...], preferred_element_type=jnp.float32, precision=jax.lax.Precision.HIGHEST)
         - jnp.dot(nbr, sb_ref[...], preferred_element_type=jnp.float32, precision=jax.lax.Precision.HIGHEST))
    dsq = jnp.dot(u * u, m3_ref[...], preferred_element_type=jnp.float32, precision=jax.lax.Precision.HIGHEST)
    dist = jnp.sqrt(dsq + 1e-6)
    repd = jnp.dot(dist, rep_ref[...], preferred_element_type=jnp.float32, precision=jax.lax.Precision.HIGHEST)
    z = (repd - mu4_ref[...]) / _SIG
    feat = jnp.exp(-(z * z))
    e = e + jnp.dot(feat, wedge_ref[NUM_POS:NUM_POS + _NP * NUM_RBF, :],
                    preferred_element_type=jnp.float32)

    m = jnp.mean(e, axis=1, keepdims=True)
    xc = e - m
    v = jnp.mean(xc * xc, axis=1, keepdims=True)
    e_ref[0] = xc / jnp.sqrt(v + 1e-5) * g_ref[...] + b_ref[...]


def _edge(gathered, dpos_flat, wpos, bpos, wedge, g, b):
    nrb = (B * L) // _RE
    rk = _RE * K
    bpb = (L * K) // rk
    return pl.pallas_call(
        _edge_body,
        grid=(nrb,),
        compiler_params=pltpu.CompilerParams(
            dimension_semantics=("parallel",)),
        in_specs=[
            pl.BlockSpec((rk, PACK),
                         lambda r: (2 * bpb * (r // bpb) + bpb + r % bpb, 0)),
            pl.BlockSpec((rk, PACK),
                         lambda r: (2 * bpb * (r // bpb) + r % bpb, 0)),
            pl.BlockSpec((rk, 1), lambda r: (r, 0)),
            pl.BlockSpec((D_POS, NUM_POS), lambda r: (0, 0)),
            pl.BlockSpec((1, NUM_POS), lambda r: (0, 0)),
            pl.BlockSpec((416, 128), lambda r: (0, 0)),
            pl.BlockSpec((1, 128), lambda r: (0, 0)),
            pl.BlockSpec((1, 128), lambda r: (0, 0)),
            pl.BlockSpec((PACK, 3 * _NP), lambda r: (0, 0)),
            pl.BlockSpec((PACK, 3 * _NP), lambda r: (0, 0)),
            pl.BlockSpec((3 * _NP, _NP), lambda r: (0, 0)),
            pl.BlockSpec((_NP, _NP * NUM_RBF), lambda r: (0, 0)),
            pl.BlockSpec((1, _NP * NUM_RBF), lambda r: (0, 0)),
        ],
        out_specs=pl.BlockSpec((1, rk, 128), lambda r: (r, 0, 0)),
        out_shape=jax.ShapeDtypeStruct((nrb, rk, 128), jnp.float32),
    )(gathered, gathered, dpos_flat, wpos, bpos, wedge, g, b,
      jnp.asarray(_SA), jnp.asarray(_SB), jnp.asarray(_M3),
      jnp.asarray(_REP), jnp.asarray(_MU400))


_RN = 256


def _ln(x, g, b):
    m = jnp.mean(x, axis=1, keepdims=True)
    xc = x - m
    v = jnp.mean(xc * xc, axis=1, keepdims=True)
    return xc / jnp.sqrt(v + 1e-5) * g + b


def _node_body(s_ref, vs_ref, wprop_ref, bprop_ref, gp_ref, bp_ref,
               wseq_ref, bseq_ref, gs_ref, bs_ref,
               wnode_ref, bnode_ref, gn_ref, bn_ref, v_ref):
    s = s_ref[0].astype(jnp.float32).reshape(_RN, 1) * 0.1
    colsum = jnp.sum(wprop_ref[...], axis=0, keepdims=True)
    v1 = _ln(s * colsum + bprop_ref[...], gp_ref[...], bp_ref[...])
    vs = jnp.dot(vs_ref[0], wseq_ref[...], preferred_element_type=jnp.float32)
    v2 = _ln(vs + bseq_ref[...], gs_ref[...], bs_ref[...])
    wn1 = wnode_ref[0:128, :]
    wn2 = wnode_ref[128:256, :]
    vv = (jnp.dot(v1, wn1, preferred_element_type=jnp.float32)
          + jnp.dot(v2, wn2, preferred_element_type=jnp.float32)
          + bnode_ref[...])
    v_ref[0] = _ln(vv, gn_ref[...], bn_ref[...])


def _node(s3, vs3, wprop, bprop, gp, bp, wseq, bseq, gs, bs,
          wnode, bnode, gn, bn):
    nb = (B * L) // _RN
    return pl.pallas_call(
        _node_body,
        grid=(nb,),
        compiler_params=pltpu.CompilerParams(
            dimension_semantics=("parallel",)),
        in_specs=[
            pl.BlockSpec((1, 1, _RN), lambda i: (i, 0, 0)),
            pl.BlockSpec((1, _RN, 1280), lambda i: (i, 0, 0)),
            pl.BlockSpec((8, 128), lambda i: (0, 0)),
            pl.BlockSpec((1, 128), lambda i: (0, 0)),
            pl.BlockSpec((1, 128), lambda i: (0, 0)),
            pl.BlockSpec((1, 128), lambda i: (0, 0)),
            pl.BlockSpec((1280, 128), lambda i: (0, 0)),
            pl.BlockSpec((1, 128), lambda i: (0, 0)),
            pl.BlockSpec((1, 128), lambda i: (0, 0)),
            pl.BlockSpec((1, 128), lambda i: (0, 0)),
            pl.BlockSpec((256, 128), lambda i: (0, 0)),
            pl.BlockSpec((1, 128), lambda i: (0, 0)),
            pl.BlockSpec((1, 128), lambda i: (0, 0)),
            pl.BlockSpec((1, 128), lambda i: (0, 0)),
        ],
        out_specs=pl.BlockSpec((1, _RN, 128), lambda i: (i, 0, 0)),
        out_shape=jax.ShapeDtypeStruct((nb, _RN, 128), jnp.float32),
    )(s3, vs3, wprop, bprop, gp, bp, wseq, bseq, gs, bs,
      wnode, bnode, gn, bn)


def kernel(X, S, V_S, mask, residue_idx, chain_labels, W_pos, b_pos, W_edge,
           ln_e_g, ln_e_b, W_prop, b_prop, ln_p_g, ln_p_b, W_seq, b_seq,
           ln_s_g, ln_s_b, W_node, b_node, ln_n_g, ln_n_b):
    x12 = X.reshape(B, L, 12)
    cat = jnp.transpose(X[:, :, 1, :], (0, 2, 1))
    coords, e_idx, g_all, dpos = _prep(x12, cat)

    gathered = _gather_rows(coords.reshape(B * L, PACK),
                            g_all.reshape(2 * B * L * K))

    e = _edge(gathered, dpos.reshape(B * L * K, 1),
              W_pos, b_pos.reshape(1, NUM_POS), W_edge,
              ln_e_g.reshape(1, 128),
              ln_e_b.reshape(1, 128)).reshape(B, L, K, 128)

    nb = (B * L) // _RN
    v = _node(S.reshape(nb, 1, _RN), V_S.reshape(nb, _RN, 1280),
              W_prop, b_prop.reshape(1, 128),
              ln_p_g.reshape(1, 128), ln_p_b.reshape(1, 128),
              W_seq, b_seq.reshape(1, 128),
              ln_s_g.reshape(1, 128), ln_s_b.reshape(1, 128),
              W_node, b_node.reshape(1, 128),
              ln_n_g.reshape(1, 128), ln_n_b.reshape(1, 128))
    return (v.reshape(B, L, 128), e, e_idx)

# --- scband reference (transcript-rebuilt; emitter-appended) ---
"""Pipeline reference for scband-protein-features-50251117363664 (READ-ONLY COPY).

The authoritative reference and input builder live on the scoring server;
editing this copy changes nothing except your own understanding.
"""

import jax, jax.numpy as jnp
import numpy as np

NODE_IN = 8
NUM_RBF = 16
TOP_K = 30
NUM_POS = 16
EDGE_F = 128
NODE_F = 128
MAXREL = 32
BB, LL = 2, 512


def aa_table():
    t = np.zeros((21, NODE_IN), dtype=np.float32)
    for i in range(1, 21):
        t[i, :] = 0.1 * i
    return jnp.asarray(t)


def layer_norm(x, g, b):
    mu = jnp.mean(x, -1, keepdims=True)
    v = jnp.var(x, -1, keepdims=True)
    return (x - mu) / jnp.sqrt(v + 1e-5) * g + b


def gather_edges(edges, nidx):
    return jnp.take_along_axis(edges, nidx[:, :, :, None], axis=2)


def rbf(D):
    mu = jnp.linspace(2.0, 22.0, NUM_RBF).reshape(1, 1, 1, -1)
    sig = (22.0 - 2.0) / NUM_RBF
    return jnp.exp(-((D[..., None] - mu) / sig) ** 2)


def get_rbf(A, Bv, E_idx):
    D = jnp.sqrt(jnp.sum((A[:, :, None, :] - Bv[:, None, :, :]) ** 2, -1) + 1e-6)
    Dn = gather_edges(D[:, :, :, None], E_idx)[:, :, :, 0]
    return rbf(Dn)


def setup_inputs(seed: int = 0):
    key = jax.random.key(seed)
    ks = jax.random.split(key, 12)
    s = 0.02
    inp = {}
    inp['X'] = jax.random.normal(ks[0], (BB, LL, 4, 3), jnp.float32)
    inp['S'] = jax.random.randint(ks[1], (BB, LL), 0, 21)
    inp['V_S'] = jax.random.normal(ks[2], (BB, LL, 1280), jnp.float32)
    inp['mask'] = jnp.ones((BB, LL), jnp.float32)
    inp['residue_idx'] = jnp.arange(BB * LL, dtype=jnp.int32).reshape(BB, LL)
    inp['chain_labels'] = jnp.zeros((BB, LL), jnp.int32)
    inp['W_pos'] = jax.random.normal(ks[3], (2 * MAXREL + 2, NUM_POS), jnp.float32) * s
    inp['b_pos'] = jnp.zeros((NUM_POS,), jnp.float32)
    inp['W_edge'] = jax.random.normal(ks[4], (NUM_POS + NUM_RBF * 25, EDGE_F), jnp.float32) * s
    inp['ln_e_g'] = jnp.ones((EDGE_F,), jnp.float32)
    inp['ln_e_b'] = jnp.zeros((EDGE_F,), jnp.float32)
    inp['W_prop'] = jax.random.normal(ks[5], (NODE_IN, NODE_F), jnp.float32) * s
    inp['b_prop'] = jnp.zeros((NODE_F,), jnp.float32)
    inp['ln_p_g'] = jnp.ones((NODE_F,), jnp.float32)
    inp['ln_p_b'] = jnp.zeros((NODE_F,), jnp.float32)
    inp['W_seq'] = jax.random.normal(ks[6], (1280, NODE_F), jnp.float32) * s
    inp['b_seq'] = jnp.zeros((NODE_F,), jnp.float32)
    inp['ln_s_g'] = jnp.ones((NODE_F,), jnp.float32)
    inp['ln_s_b'] = jnp.zeros((NODE_F,), jnp.float32)
    inp['W_node'] = jax.random.normal(ks[7], (2 * NODE_F, NODE_F), jnp.float32) * s
    inp['b_node'] = jnp.zeros((NODE_F,), jnp.float32)
    inp['ln_n_g'] = jnp.ones((NODE_F,), jnp.float32)
    inp['ln_n_b'] = jnp.zeros((NODE_F,), jnp.float32)
    return inp


def reference(X, S, V_S, mask, residue_idx, chain_labels, W_pos, b_pos, W_edge, ln_e_g, ln_e_b, W_prop, b_prop, ln_p_g, ln_p_b, W_seq, b_seq, ln_s_g, ln_s_b, W_node, b_node, ln_n_g, ln_n_b):
    b = X[:, :, 1, :] - X[:, :, 0, :]
    c = X[:, :, 2, :] - X[:, :, 1, :]
    a = jnp.cross(b, c)
    Cb = -0.58273431 * a + 0.56802827 * b - 0.54067466 * c + X[:, :, 1, :]
    Ca = X[:, :, 1, :]
    N = X[:, :, 0, :]
    C = X[:, :, 2, :]
    O = X[:, :, 3, :]
    mask2 = mask[:, None, :] * mask[:, :, None]
    dX = Ca[:, None, :, :] - Ca[:, :, None, :]
    D = mask2 * jnp.sqrt(jnp.sum(dX ** 2, 3) + 1e-6)
    D_max = jnp.max(D, -1, keepdims=True)
    D_adjust = D + (1.0 - mask2) * D_max
    k = min(TOP_K, X.shape[1])
    nv, E_idx = jax.lax.top_k(-D_adjust, k)
    D_neighbors = -nv
    pairs = [(N, N), (C, C), (O, O), (Cb, Cb), (Ca, N), (Ca, C), (Ca, O), (Ca, Cb), (N, C), (N, O), (N, Cb), (Cb, C), (Cb, O), (O, C), (N, Ca), (C, Ca), (O, Ca), (Cb, Ca), (C, N), (O, N), (Cb, N), (C, Cb), (O, Cb), (C, O)]
    RBF_all = [rbf(D_neighbors)] + [get_rbf(A, Bv, E_idx) for A, Bv in pairs]
    RBF_all = jnp.concatenate(RBF_all, -1)
    offset = residue_idx[:, :, None] - residue_idx[:, None, :]
    offset = gather_edges(offset[:, :, :, None], E_idx)[:, :, :, 0]
    d_chains = (chain_labels[:, :, None] - chain_labels[:, None, :] == 0).astype(jnp.int32)
    E_chains = gather_edges(d_chains[:, :, :, None], E_idx)[:, :, :, 0]
    d = jnp.clip(offset + MAXREL, 0, 2 * MAXREL) * E_chains + (1 - E_chains) * (2 * MAXREL + 1)
    d_onehot = jax.nn.one_hot(d, 2 * MAXREL + 2, dtype=jnp.float32)
    E_pos = d_onehot @ W_pos + b_pos
    E = jnp.concatenate([E_pos, RBF_all], -1)
    E = layer_norm(E @ W_edge, ln_e_g, ln_e_b)
    V = aa_table()[S]
    V = layer_norm(V @ W_prop + b_prop, ln_p_g, ln_p_b)
    Vs = layer_norm(V_S @ W_seq + b_seq, ln_s_g, ln_s_b)
    V = jnp.concatenate([V, Vs], -1)
    V = layer_norm(V @ W_node + b_node, ln_n_g, ln_n_b)
    return (V, E, E_idx)

if __name__ == "__main__":
    import jax
    _d = setup_inputs()
    print(jax.jit(kernel)(*tuple(_d.values())))

</pallas_src>

<mosaic_0001>
#map = affine_map<(d0, d1) -> (0, 0)>
#map1 = affine_map<(d0, d1) -> (0)>
module attributes {stable_mosaic.version = 14 : i64} {
  func.func @gk(%arg0: i32, %arg1: i32, %arg2: memref<1024x16xf32, #tpu.memory_space<hbm>>, %arg3: memref<61440xi32, #tpu.memory_space<hbm>>, %arg4: memref<61440x16xf32, #tpu.memory_space<hbm>>, %arg5: memref<1920xi32, #tpu.memory_space<vmem>>, %arg6: memref<1920x16xf32, #tpu.memory_space<vmem>>, %arg7: memref<!tpu.dma_semaphore, #tpu.memory_space<semaphore_mem>>) attributes {dimension_semantics = [#tpu.dimension_semantics<core_parallel>, #tpu.dimension_semantics<subcore_parallel>], iteration_bounds = array<i64: 2, 16>, scalar_prefetch = 0 : i64, scratch_operands = 3 : i64, tpu.core_type = #tpu.core_type<sc_vector_subcore>, window_params = [{transform_indices = #map}, {transform_indices = #map1}, {transform_indices = #map}]} {
    %mul3A = arith.constant 2 : i32
    %mul3A_0 = arith.muli %arg1, %mul3A : i32
    %add3A = arith.addi %mul3A_0, %arg0 : i32
    %mul3A_1 = arith.constant 1920 : i32
    %mul3A_2 = arith.muli %add3A, %mul3A_1 : i32
    "tpu.region"() ({
      %run_scoped3A = tpu.sem_alloc : memref<!tpu.dma_semaphore, #tpu.memory_space<semaphore_mem>>
      %dma_start3A_7 = tpu.memref_slice %arg3[%mul3A_2] : memref<61440xi32, #tpu.memory_space<hbm>> -> memref<1920xi32, #tpu.memory_space<hbm>>
      %dma_start3A_8 = tpu.memref_slice %arg3[%mul3A_2] : memref<61440xi32, #tpu.memory_space<hbm>> -> memref<1920xi32, #tpu.memory_space<hbm>>
      tpu.enqueue_dma source(%dma_start3A_8 : memref<1920xi32, #tpu.memory_space<hbm>>) target(%arg5 : memref<1920xi32, #tpu.memory_space<vmem>>) target_semaphore(%run_scoped3A : memref<!tpu.dma_semaphore, #tpu.memory_space<semaphore_mem>>)
      %dma_wait3A_9 = tpu.memref_slice %arg3[%mul3A_2] : memref<61440xi32, #tpu.memory_space<hbm>> -> memref<1920xi32, #tpu.memory_space<hbm>>
      %dma_wait3A_10 = tpu.memref_slice %arg3[%mul3A_2] : memref<61440xi32, #tpu.memory_space<hbm>> -> memref<1920xi32, #tpu.memory_space<hbm>>
      tpu.wait_dma2 semaphore(%run_scoped3A : memref<!tpu.dma_semaphore, #tpu.memory_space<semaphore_mem>>) src(%dma_wait3A_10 : memref<1920xi32, #tpu.memory_space<hbm>>) dst(%arg5 : memref<1920xi32, #tpu.memory_space<vmem>>)
      tpu.yield
    }) : () -> ()
    %dma_start3A = arith.constant 0 : i32
    %dma_start3A_3 = arith.constant 0 : i32
    %dma_start3A_4 = tpu.memref_slice %arg2[%dma_start3A, %dma_start3A_3] : memref<1024x16xf32, #tpu.memory_space<hbm>> -> memref<1024x16xf32, #tpu.memory_space<hbm>>
    tpu.enqueue_indirect_dma source(%dma_start3A_4 : memref<1024x16xf32, #tpu.memory_space<hbm>>) target(%arg6 : memref<1920x16xf32, #tpu.memory_space<vmem>>) offsets(%arg5 : memref<1920xi32, #tpu.memory_space<vmem>>) semaphore(%arg7 : memref<!tpu.dma_semaphore, #tpu.memory_space<semaphore_mem>>)
    %dma_wait3A = arith.constant 0 : i32
    %dma_wait3A_5 = arith.constant 0 : i32
    %dma_wait3A_6 = tpu.memref_slice %arg2[%dma_wait3A, %dma_wait3A_5] : memref<1024x16xf32, #tpu.memory_space<hbm>> -> memref<1024x16xf32, #tpu.memory_space<hbm>>
    tpu.wait_indirect_dma semaphore(%arg7 : memref<!tpu.dma_semaphore, #tpu.memory_space<semaphore_mem>>) src(%dma_wait3A_6 : memref<1024x16xf32, #tpu.memory_space<hbm>>) dst(%arg6 : memref<1920x16xf32, #tpu.memory_space<vmem>>)
    "tpu.region"() ({
      %run_scoped3A = tpu.sem_alloc : memref<!tpu.dma_semaphore, #tpu.memory_space<semaphore_mem>>
      %dma_start3A_7 = arith.constant 0 : i32
      %dma_start3A_8 = tpu.memref_slice %arg4[%mul3A_2, %dma_start3A_7] : memref<61440x16xf32, #tpu.memory_space<hbm>> -> memref<1920x16xf32, #tpu.memory_space<hbm>>
      %dma_start3A_9 = arith.constant 0 : i32
      %dma_start3A_10 = tpu.memref_slice %arg4[%mul3A_2, %dma_start3A_9] : memref<61440x16xf32, #tpu.memory_space<hbm>> -> memref<1920x16xf32, #tpu.memory_space<hbm>>
      tpu.enqueue_dma source(%arg6 : memref<1920x16xf32, #tpu.memory_space<vmem>>) target(%dma_start3A_10 : memref<1920x16xf32, #tpu.memory_space<hbm>>) target_semaphore(%run_scoped3A : memref<!tpu.dma_semaphore, #tpu.memory_space<semaphore_mem>>)
      %dma_wait3A_11 = arith.constant 0 : i32
      %dma_wait3A_12 = tpu.memref_slice %arg4[%mul3A_2, %dma_wait3A_11] : memref<61440x16xf32, #tpu.memory_space<hbm>> -> memref<1920x16xf32, #tpu.memory_space<hbm>>
      %dma_wait3A_13 = arith.constant 0 : i32
      %dma_wait3A_14 = tpu.memref_slice %arg4[%mul3A_2, %dma_wait3A_13] : memref<61440x16xf32, #tpu.memory_space<hbm>> -> memref<1920x16xf32, #tpu.memory_space<hbm>>
      tpu.wait_dma2 semaphore(%run_scoped3A : memref<!tpu.dma_semaphore, #tpu.memory_space<semaphore_mem>>) src(%arg6 : memref<1920x16xf32, #tpu.memory_space<vmem>>) dst(%dma_wait3A_14 : memref<1920x16xf32, #tpu.memory_space<hbm>>)
      tpu.yield
    }) : () -> ()
    return
  }
}

module attributes {stable_mosaic.version = 14 : i64} {
  func.func @_prep_body(%arg0: i32, %arg1: memref<1x512x12xf32, #tpu.memory_space<vmem>>, %arg2: memref<1x3x512xf32, #tpu.memory_space<vmem>>, %arg3: memref<1x512x16xf32, #tpu.memory_space<vmem>>, %arg4: memref<1x512x30xi32, #tpu.memory_space<vmem>>, %arg5: memref<1x2x512x30xi32, #tpu.memory_space<vmem>>, %arg6: memref<1x512x30xi32, #tpu.memory_space<vmem>>) attributes {dimension_semantics = [#tpu.dimension_semantics<parallel>], iteration_bounds = array<i64: 2>, scalar_prefetch = 0 : i64, scratch_operands = 0 : i64, tpu.core_type = #tpu.core_type<tc>, window_params = [{transform_indices = @transform_0, window_bounds = array<i64: 1, 512, 12>}, {transform_indices = @transform_1, window_bounds = array<i64: 1, 3, 512>}, {transform_indices = @transform_2, window_bounds = array<i64: 1, 512, 16>}, {transform_indices = @transform_3, window_bounds = array<i64: 1, 512, 30>}, {transform_indices = @transform_4, window_bounds = array<i64: 1, 2, 512, 30>}, {transform_indices = @transform_5, window_bounds = array<i64: 1, 512, 30>}]} {
    %get3A = arith.constant 0 : index
    %get3A_0 = arith.constant 0 : index
    %get3A_1 = arith.constant 0 : index
    %get3A_2 = vector.load %arg1[%get3A, %get3A_0, %get3A_1] : memref<1x512x12xf32, #tpu.memory_space<vmem>>, vector<1x512x12xf32>
    %get3A_3 = vector.shape_cast %get3A_2 : vector<1x512x12xf32> to vector<512x12xf32>
    %slice3A = vector.extract_strided_slice %get3A_3 {offsets = [0, 0], sizes = [512, 3], strides = [1, 1]} : vector<512x12xf32> to vector<512x3xf32>
    %slice3A_4 = vector.extract_strided_slice %get3A_3 {offsets = [0, 3], sizes = [512, 3], strides = [1, 1]} : vector<512x12xf32> to vector<512x3xf32>
    %slice3A_5 = vector.extract_strided_slice %get3A_3 {offsets = [0, 6], sizes = [512, 3], strides = [1, 1]} : vector<512x12xf32> to vector<512x3xf32>
    %slice3A_6 = vector.extract_strided_slice %get3A_3 {offsets = [0, 9], sizes = [512, 3], strides = [1, 1]} : vector<512x12xf32> to vector<512x3xf32>
    %sub3A = arith.subf %slice3A_4, %slice3A : vector<512x3xf32>
    %sub3A_7 = arith.subf %slice3A_5, %slice3A_4 : vector<512x3xf32>
    %slice3A_8 = vector.extract_strided_slice %sub3A {offsets = [0, 1], sizes = [512, 1], strides = [1, 1]} : vector<512x3xf32> to vector<512x1xf32>
    %slice3A_9 = vector.extract_strided_slice %sub3A_7 {offsets = [0, 2], sizes = [512, 1], strides = [1, 1]} : vector<512x3xf32> to vector<512x1xf32>
    %mul3A = arith.mulf %slice3A_8, %slice3A_9 : vector<512x1xf32>
    %slice3A_10 = vector.extract_strided_slice %sub3A {offsets = [0, 2], sizes = [512, 1], strides = [1, 1]} : vector<512x3xf32> to vector<512x1xf32>
    %slice3A_11 = vector.extract_strided_slice %sub3A_7 {offsets = [0, 1], sizes = [512, 1], strides = [1, 1]} : vector<512x3xf32> to vector<512x1xf32>
    %mul3A_12 = arith.mulf %slice3A_10, %slice3A_11 : vector<512x1xf32>
    %sub3A_13 = arith.subf %mul3A, %mul3A_12 : vector<512x1xf32>
    %slice3A_14 = vector.extract_strided_slice %sub3A {offsets = [0, 2], sizes = [512, 1], strides = [1, 1]} : vector<512x3xf32> to vector<512x1xf32>
    %slice3A_15 = vector.extract_strided_slice %sub3A_7 {offsets = [0, 0], sizes = [512, 1], strides = [1, 1]} : vector<512x3xf32> to vector<512x1xf32>
    %mul3A_16 = arith.mulf %slice3A_14, %slice3A_15 : vector<512x1xf32>
    %slice3A_17 = vector.extract_strided_slice %sub3A {offsets = [0, 0], sizes = [512, 1], strides = [1, 1]} : vector<512x3xf32> to vector<512x1xf32>
    %slice3A_18 = vector.extract_strided_slice %sub3A_7 {offsets = [0, 2], sizes = [512, 1], strides = [1, 1]} : vector<512x3xf32> to vector<512x1xf32>
    %mul3A_19 = arith.mulf %slice3A_17, %slice3A_18 : vector<512x1xf32>
    %sub3A_20 = arith.subf %mul3A_16, %mul3A_19 : vector<512x1xf32>
    %slice3A_21 = vector.extract_strided_slice %sub3A {offsets = [0, 0], sizes = [512, 1], strides = [1, 1]} : vector<512x3xf32> to vector<512x1xf32>
    %slice3A_22 = vector.extract_strided_slice %sub3A_7 {offsets = [0, 1], sizes = [512, 1], strides = [1, 1]} : vector<512x3xf32> to vector<512x1xf32>
    %mul3A_23 = arith.mulf %slice3A_21, %slice3A_22 : vector<512x1xf32>
    %slice3A_24 = vector.extract_strided_slice %sub3A {offsets = [0, 1], sizes = [512, 1], strides = [1, 1]} : vector<512x3xf32> to vector<512x1xf32>
    %slice3A_25 = vector.extract_strided_slice %sub3A_7 {offsets = [0, 0], sizes = [512, 1], strides = [1, 1]} : vector<512x3xf32> to vector<512x1xf32>
    %mul3A_26 = arith.mulf %slice3A_24, %slice3A_25 : vector<512x1xf32>
    %sub3A_27 = arith.subf %mul3A_23, %mul3A_26 : vector<512x1xf32>
    %concatenate3A = tpu.concatenate %sub3A_13, %sub3A_20, %sub3A_27 in 1 : vector<512x1xf32>, vector<512x1xf32>, vector<512x1xf32> -> vector<512x3xf32>
    %mul3A_28 = arith.constant -0.582734287 : f32
    %mul3A_29 = vector.broadcast %mul3A_28 : f32 to vector<512x3xf32>
    %mul3A_30 = arith.mulf %mul3A_29, %concatenate3A : vector<512x3xf32>
    %mul3A_31 = arith.constant 0.568028271 : f32
    %mul3A_32 = vector.broadcast %mul3A_31 : f32 to vector<512x3xf32>
    %mul3A_33 = arith.mulf %mul3A_32, %sub3A : vector<512x3xf32>
    %add3A = arith.addf %mul3A_30, %mul3A_33 : vector<512x3xf32>
    %mul3A_34 = arith.constant 0.540674686 : f32
    %mul3A_35 = vector.broadcast %mul3A_34 : f32 to vector<512x3xf32>
    %mul3A_36 = arith.mulf %mul3A_35, %sub3A_7 : vector<512x3xf32>
    %sub3A_37 = arith.subf %add3A, %mul3A_36 : vector<512x3xf32>
    %add3A_38 = arith.addf %sub3A_37, %slice3A_4 : vector<512x3xf32>
    %broadcast_in_dim3A = arith.constant 0.000000e+00 : f32
    %broadcast_in_dim3A_39 = vector.broadcast %broadcast_in_dim3A : f32 to vector<512x1xf32>
    %concatenate3A_40 = tpu.concatenate %slice3A, %slice3A_4, %slice3A_5, %slice3A_6, %add3A_38, %broadcast_in_dim3A_39 in 1 : vector<512x3xf32>, vector<512x3xf32>, vector<512x3xf32>, vector<512x3xf32>, vector<512x3xf32>, vector<512x1xf32> -> vector<512x16xf32>
    %swap3A = arith.constant 0 : index
    %swap3A_41 = arith.constant 0 : index
    %swap3A_42 = arith.constant 0 : index
    %swap3A_43 = vector.load %arg3[%swap3A, %swap3A_41, %swap3A_42] : memref<1x512x16xf32, #tpu.memory_space<vmem>>, vector<1x512x16xf32>
    %swap3A_44 = vector.shape_cast %swap3A_43 : vector<1x512x16xf32> to vector<512x16xf32>
    %swap3A_45 = vector.shape_cast %concatenate3A_40 : vector<512x16xf32> to vector<1x512x16xf32>
    tpu.vector_store %arg3[%swap3A, %swap3A_41, %swap3A_42], %swap3A_45 {strides = array<i32>} : memref<1x512x16xf32, #tpu.memory_space<vmem>>, vector<1x512x16xf32>,
    %broadcast_in_dim3A_46 = arith.constant 0.000000e+00 : f32
    %broadcast_in_dim3A_47 = vector.broadcast %broadcast_in_dim3A_46 : f32 to vector<512x512xf32>
    %slice3A_48 = vector.extract_strided_slice %slice3A_4 {offsets = [0, 0], sizes = [512, 1], strides = [1, 1]} : vector<512x3xf32> to vector<512x1xf32>
    %get3A_49 = arith.constant 0 : index
    %get3A_50 = arith.constant 0 : index
    %get3A_51 = arith.constant 0 : index
    %get3A_52 = vector.load %arg2[%get3A_49, %get3A_50, %get3A_51] : memref<1x3x512xf32, #tpu.memory_space<vmem>>, vector<1x1x512xf32>
    %get3A_53 = vector.shape_cast %get3A_52 : vector<1x1x512xf32> to vector<1x512xf32>
    %sub3A_54 = vector.broadcast %slice3A_48 : vector<512x1xf32> to vector<512x512xf32>
    %sub3A_55 = vector.broadcast %get3A_53 : vector<1x512xf32> to vector<512x512xf32>
    %sub3A_56 = arith.subf %sub3A_54, %sub3A_55 : vector<512x512xf32>
    %mul3A_57 = arith.mulf %sub3A_56, %sub3A_56 : vector<512x512xf32>
    %add3A_58 = arith.addf %broadcast_in_dim3A_47, %mul3A_57 : vector<512x512xf32>
    %slice3A_59 = vector.extract_strided_slice %slice3A_4 {offsets = [0, 1], sizes = [512, 1], strides = [1, 1]} : vector<512x3xf32> to vector<512x1xf32>
    %get3A_60 = arith.constant 0 : index
    %get3A_61 = arith.constant 1 : index
    %get3A_62 = arith.constant 0 : index
    %get3A_63 = vector.load %arg2[%get3A_60, %get3A_61, %get3A_62] : memref<1x3x512xf32, #tpu.memory_space<vmem>>, vector<1x1x512xf32>
    %get3A_64 = vector.shape_cast %get3A_63 : vector<1x1x512xf32> to vector<1x512xf32>
    %sub3A_65 = vector.broadcast %slice3A_59 : vector<512x1xf32> to vector<512x512xf32>
    %sub3A_66 = vector.broadcast %get3A_64 : vector<1x512xf32> to vector<512x512xf32>
    %sub3A_67 = arith.subf %sub3A_65, %sub3A_66 : vector<512x512xf32>
    %mul3A_68 = arith.mulf %sub3A_67, %sub3A_67 : vector<512x512xf32>
    %add3A_69 = arith.addf %add3A_58, %mul3A_68 : vector<512x512xf32>
    %slice3A_70 = vector.extract_strided_slice %slice3A_4 {offsets = [0, 2], sizes = [512, 1], strides = [1, 1]} : vector<512x3xf32> to vector<512x1xf32>
    %get3A_71 = arith.constant 0 : index
    %get3A_72 = arith.constant 2 : index
    %get3A_73 = arith.constant 0 : index
    %get3A_74 = vector.load %arg2[%get3A_71, %get3A_72, %get3A_73] : memref<1x3x512xf32, #tpu.memory_space<vmem>>, vector<1x1x512xf32>
    %get3A_75 = vector.shape_cast %get3A_74 : vector<1x1x512xf32> to vector<1x512xf32>
    %sub3A_76 = vector.broadcast %slice3A_70 : vector<512x1xf32> to vector<512x512xf32>
    %sub3A_77 = vector.broadcast %get3A_75 : vector<1x512xf32> to vector<512x512xf32>
    %sub3A_78 = arith.subf %sub3A_76, %sub3A_77 : vector<512x512xf32>
    %mul3A_79 = arith.mulf %sub3A_78, %sub3A_78 : vector<512x512xf32>
    %add3A_80 = arith.addf %add3A_69, %mul3A_79 : vector<512x512xf32>
    %add3A_81 = arith.constant 9.99999997E-7 : f32
    %add3A_82 = vector.broadcast %add3A_81 : f32 to vector<512x512xf32>
    %add3A_83 = arith.addf %add3A_80, %add3A_82 : vector<512x512xf32>
    %sqrt3A = math.sqrt %add3A_83 : vector<512x512xf32>
    %iota3A = tpu.iota {dimensions = array<i32: 1>} : vector<512x512xi32>
    %reduce_min3A = arith.constant dense<0x7F800000> : vector<512xf32>
    %reduce_min3A_84 = vector.multi_reduction <minimumf>, %sqrt3A, %reduce_min3A [1] : vector<512x512xf32> to vector<512xf32>
    %broadcast_in_dim3A_85 = vector.shape_cast %reduce_min3A_84 : vector<512xf32> to vector<512x1xf32>
    %eq3A = vector.broadcast %broadcast_in_dim3A_85 : vector<512x1xf32> to vector<512x512xf32>
    %eq3A_86 = arith.cmpf oeq, %sqrt3A, %eq3A : vector<512x512xf32>
    %jit3A = arith.constant 513 : i32
    %broadcast_in_dim3A_87 = vector.broadcast %jit3A : i32 to vector<512x512xi32>
    %select_n3A = arith.select %eq3A_86, %iota3A, %broadcast_in_dim3A_87 : vector<512x512xi1>, vector<512x512xi32>
    %reduce_min3A_88 = arith.constant dense<2147483647> : vector<512xi32>
    %reduce_min3A_89 = vector.multi_reduction <minsi>, %select_n3A, %reduce_min3A_88 [1] : vector<512x512xi32> to vector<512xi32>
    %broadcast_in_dim3A_90 = vector.shape_cast %reduce_min3A_89 : vector<512xi32> to vector<512x1xi32>
    %eq3A_91 = vector.broadcast %broadcast_in_dim3A_90 : vector<512x1xi32> to vector<512x512xi32>
    %eq3A_92 = arith.cmpi eq, %iota3A, %eq3A_91 : vector<512x512xi32>
    %jit3A_93 = arith.constant 0x7F800000 : f32
    %broadcast_in_dim3A_94 = vector.broadcast %jit3A_93 : f32 to vector<512x512xf32>
    %select_n3A_95 = arith.select %eq3A_92, %broadcast_in_dim3A_94, %sqrt3A : vector<512x512xi1>, vector<512x512xf32>
    %reduce_min3A_96 = arith.constant dense<0x7F800000> : vector<512xf32>
    %reduce_min3A_97 = vector.multi_reduction <minimumf>, %select_n3A_95, %reduce_min3A_96 [1] : vector<512x512xf32> to vector<512xf32>
    %broadcast_in_dim3A_98 = vector.shape_cast %reduce_min3A_97 : vector<512xf32> to vector<512x1xf32>
    %eq3A_99 = vector.broadcast %broadcast_in_dim3A_98 : vector<512x1xf32> to vector<512x512xf32>
    %eq3A_100 = arith.cmpf oeq, %select_n3A_95, %eq3A_99 : vector<512x512xf32>
    %jit3A_101 = arith.constant 513 : i32
    %broadcast_in_dim3A_102 = vector.broadcast %jit3A_101 : i32 to vector<512x512xi32>
    %select_n3A_103 = arith.select %eq3A_100, %iota3A, %broadcast_in_dim3A_102 : vector<512x512xi1>, vector<512x512xi32>
    %reduce_min3A_104 = arith.constant dense<2147483647> : vector<512xi32>
    %reduce_min3A_105 = vector.multi_reduction <minsi>, %select_n3A_103, %reduce_min3A_104 [1] : vector<512x512xi32> to vector<512xi32>
    %broadcast_in_dim3A_106 = vector.shape_cast %reduce_min3A_105 : vector<512xi32> to vector<512x1xi32>
    %eq3A_107 = vector.broadcast %broadcast_in_dim3A_106 : vector<512x1xi32> to vector<512x512xi32>
    %eq3A_108 = arith.cmpi eq, %iota3A, %eq3A_107 : vector<512x512xi32>
    %jit3A_109 = arith.constant 0x7F800000 : f32
    %broadcast_in_dim3A_110 = vector.broadcast %jit3A_109 : f32 to vector<512x512xf32>
    %select_n3A_111 = arith.select %eq3A_108, %broadcast_in_dim3A_110, %select_n3A_95 : vector<512x512xi1>, vector<512x512xf32>
    %reduce_min3A_112 = arith.constant dense<0x7F800000> : vector<512xf32>
    %reduce_min3A_113 = vector.multi_reduction <minimumf>, %select_n3A_111, %reduce_min3A_112 [1] : vector<512x512xf32> to vector<512xf32>
    %broadcast_in_dim3A_114 = vector.shape_cast %reduce_min3A_113 : vector<512xf32> to vector<512x1xf32>
    %eq3A_115 = vector.broadcast %broadcast_in_dim3A_114 : vector<512x1xf32> to vector<512x512xf32>
    %eq3A_116 = arith.cmpf oeq, %select_n3A_111, %eq3A_115 : vector<512x512xf32>
    %jit3A_117 = arith.constant 513 : i32
    %broadcast_in_dim3A_118 = vector.broadcast %jit3A_117 : i32 to vector<512x512xi32>
    %select_n3A_119 = arith.select %eq3A_116, %iota3A, %broadcast_in_dim3A_118 : vector<512x512xi1>, vector<512x512xi32>
    %reduce_min3A_120 = arith.constant dense<2147483647> : vector<512xi32>
    %reduce_min3A_121 = vector.multi_reduction <minsi>, %select_n3A_119, %reduce_min3A_120 [1] : vector<512x512xi32> to vector<512xi32>
    %broadcast_in_dim3A_122 = vector.shape_cast %reduce_min3A_121 : vector<512xi32> to vector<512x1xi32>
    %eq3A_123 = vector.broadcast %broadcast_in_dim3A_122 : vector<512x1xi32> to vector<512x512xi32>
    %eq3A_124 = arith.cmpi eq, %iota3A, %eq3A_123 : vector<512x512xi32>
    %jit3A_125 = arith.constant 0x7F800000 : f32
    %broadcast_in_dim3A_126 = vector.broadcast %jit3A_125 : f32 to vector<512x512xf32>
    %select_n3A_127 = arith.select %eq3A_124, %broadcast_in_dim3A_126, %select_n3A_111 : vector<512x512xi1>, vector<512x512xf32>
    %reduce_min3A_128 = arith.constant dense<0x7F800000> : vector<512xf32>
    %reduce_min3A_129 = vector.multi_reduction <minimumf>, %select_n3A_127, %reduce_min3A_128 [1] : vector<512x512xf32> to vector<512xf32>
    %broadcast_in_dim3A_130 = vector.shape_cast %reduce_min3A_129 : vector<512xf32> to vector<512x1xf32>
    %eq3A_131 = vector.broadcast %broadcast_in_dim3A_130 : vector<512x1xf32> to vector<512x512xf32>
    %eq3A_132 = arith.cmpf oeq, %select_n3A_127, %eq3A_131 : vector<512x512xf32>
    %jit3A_133 = arith.constant 513 : i32
    %broadcast_in_dim3A_134 = vector.broadcast %jit3A_133 : i32 to vector<512x512xi32>
    %select_n3A_135 = arith.select %eq3A_132, %iota3A, %broadcast_in_dim3A_134 : vector<512x512xi1>, vector<512x512xi32>
    %reduce_min3A_136 = arith.constant dense<2147483647> : vector<512xi32>
    %reduce_min3A_137 = vector.multi_reduction <minsi>, %select_n3A_135, %reduce_min3A_136 [1] : vector<512x512xi32> to vector<512xi32>
    %broadcast_in_dim3A_138 = vector.shape_cast %reduce_min3A_137 : vector<512xi32> to vector<512x1xi32>
    %eq3A_139 = vector.broadcast %broadcast_in_dim3A_138 : vector<512x1xi32> to vector<512x512xi32>
    %eq3A_140 = arith.cmpi eq, %iota3A, %eq3A_139 : vector<512x512xi32>
    %jit3A_141 = arith.constant 0x7F800000 : f32
    %broadcast_in_dim3A_142 = vector.broadcast %jit3A_141 : f32 to vector<512x512xf32>
    %select_n3A_143 = arith.select %eq3A_140, %broadcast_in_dim3A_142, %select_n3A_127 : vector<512x512xi1>, vector<512x512xf32>
    %reduce_min3A_144 = arith.constant dense<0x7F800000> : vector<512xf32>
    %reduce_min3A_145 = vector.multi_reduction <minimumf>, %select_n3A_143, %reduce_min3A_144 [1] : vector<512x512xf32> to vector<512xf32>
    %broadcast_in_dim3A_146 = vector.shape_cast %reduce_min3A_145 : vector<512xf32> to vector<512x1xf32>
    %eq3A_147 = vector.broadcast %broadcast_in_dim3A_146 : vector<512x1xf32> to vector<512x512xf32>
    %eq3A_148 = arith.cmpf oeq, %select_n3A_143, %eq3A_147 : vector<512x512xf32>
    %jit3A_149 = arith.constant 513 : i32
    %broadcast_in_dim3A_150 = vector.broadcast %jit3A_149 : i32 to vector<512x512xi32>
    %select_n3A_151 = arith.select %eq3A_148, %iota3A, %broadcast_in_dim3A_150 : vector<512x512xi1>, vector<512x512xi32>
    %reduce_min3A_152 = arith.constant dense<2147483647> : vector<512xi32>
    %reduce_min3A_153 = vector.multi_reduction <minsi>, %select_n3A_151, %reduce_min3A_152 [1] : vector<512x512xi32> to vector<512xi32>
    %broadcast_in_dim3A_154 = vector.shape_cast %reduce_min3A_153 : vector<512xi32> to vector<512x1xi32>
    %eq3A_155 = vector.broadcast %broadcast_in_dim3A_154 : vector<512x1xi32> to vector<512x512xi32>
    %eq3A_156 = arith.cmpi eq, %iota3A, %eq3A_155 : vector<512x512xi32>
    %jit3A_157 = arith.constant 0x7F800000 : f32
    %broadcast_in_dim3A_158 = vector.broadcast %jit3A_157 : f32 to vector<512x512xf32>
    %select_n3A_159 = arith.select %eq3A_156, %broadcast_in_dim3A_158, %select_n3A_143 : vector<512x512xi1>, vector<512x512xf32>
    %reduce_min3A_160 = arith.constant dense<0x7F800000> : vector<512xf32>
    %reduce_min3A_161 = vector.multi_reduction <minimumf>, %select_n3A_159, %reduce_min3A_160 [1] : vector<512x512xf32> to vector<512xf32>
    %broadcast_in_dim3A_162 = vector.shape_cast %reduce_min3A_161 : vector<512xf32> to vector<512x1xf32>
    %eq3A_163 = vector.broadcast %broadcast_in_dim3A_162 : vector<512x1xf32> to vector<512x512xf32>
    %eq3A_164 = arith.cmpf oeq, %select_n3A_159, %eq3A_163 : vector<512x512xf32>
    %jit3A_165 = arith.constant 513 : i32
    %broadcast_in_dim3A_166 = vector.broadcast %jit3A_165 : i32 to vector<512x512xi32>
    %select_n3A_167 = arith.select %eq3A_164, %iota3A, %broadcast_in_dim3A_166 : vector<512x512xi1>, vector<512x512xi32>
    %reduce_min3A_168 = arith.constant dense<2147483647> : vector<512xi32>
    %reduce_min3A_169 = vector.multi_reduction <minsi>, %select_n3A_167, %reduce_min3A_168 [1] : vector<512x512xi32> to vector<512xi32>
    %broadcast_in_dim3A_170 = vector.shape_cast %reduce_min3A_169 : vector<512xi32> to vector<512x1xi32>
    %eq3A_171 = vector.broadcast %broadcast_in_dim3A_170 : vector<512x1xi32> to vector<512x512xi32>
    %eq3A_172 = arith.cmpi eq, %iota3A, %eq3A_171 : vector<512x512xi32>
    %jit3A_173 = arith.constant 0x7F800000 : f32
    %broadcast_in_dim3A_174 = vector.broadcast %jit3A_173 : f32 to vector<512x512xf32>
    %select_n3A_175 = arith.select %eq3A_172, %broadcast_in_dim3A_174, %select_n3A_159 : vector<512x512xi1>, vector<512x512xf32>
    %reduce_min3A_176 = arith.constant dense<0x7F800000> : vector<512xf32>
    %reduce_min3A_177 = vector.multi_reduction <minimumf>, %select_n3A_175, %reduce_min3A_176 [1] : vector<512x512xf32> to vector<512xf32>
    %broadcast_in_dim3A_178 = vector.shape_cast %reduce_min3A_177 : vector<512xf32> to vector<512x1xf32>
    %eq3A_179 = vector.broadcast %broadcast_in_dim3A_178 : vector<512x1xf32> to vector<512x512xf32>
    %eq3A_180 = arith.cmpf oeq, %select_n3A_175, %eq3A_179 : vector<512x512xf32>
    %jit3A_181 = arith.constant 513 : i32
    %broadcast_in_dim3A_182 = vector.broadcast %jit3A_181 : i32 to vector<512x512xi32>
    %select_n3A_183 = arith.select %eq3A_180, %iota3A, %broadcast_in_dim3A_182 : vector<512x512xi1>, vector<512x512xi32>
    %reduce_min3A_184 = arith.constant dense<2147483647> : vector<512xi32>
    %reduce_min3A_185 = vector.multi_reduction <minsi>, %select_n3A_183, %reduce_min3A_184 [1] : vector<512x512xi32> to vector<512xi32>
    %broadcast_in_dim3A_186 = vector.shape_cast %reduce_min3A_185 : vector<512xi32> to vector<512x1xi32>
    %eq3A_187 = vector.broadcast %broadcast_in_dim3A_186 : vector<512x1xi32> to vector<512x512xi32>
    %eq3A_188 = arith.cmpi eq, %iota3A, %eq3A_187 : vector<512x512xi32>
    %jit3A_189 = arith.constant 0x7F800000 : f32
    %broadcast_in_dim3A_190 = vector.broadcast %jit3A_189 : f32 to vector<512x512xf32>
    %select_n3A_191 = arith.select %eq3A_188, %broadcast_in_dim3A_190, %select_n3A_175 : vector<512x512xi1>, vector<512x512xf32>
    %reduce_min3A_192 = arith.constant dense<0x7F800000> : vector<512xf32>
    %reduce_min3A_193 = vector.multi_reduction <minimumf>, %select_n3A_191, %reduce_min3A_192 [1] : vector<512x512xf32> to vector<512xf32>
    %broadcast_in_dim3A_194 = vector.shape_cast %reduce_min3A_193 : vector<512xf32> to vector<512x1xf32>
    %eq3A_195 = vector.broadcast %broadcast_in_dim3A_194 : vector<512x1xf32> to vector<512x512xf32>
    %eq3A_196 = arith.cmpf oeq, %select_n3A_191, %eq3A_195 : vector<512x512xf32>
    %jit3A_197 = arith.constant 513 : i32
    %broadcast_in_dim3A_198 = vector.broadcast %jit3A_197 : i32 to vector<512x512xi32>
    %select_n3A_199 = arith.select %eq3A_196, %iota3A, %broadcast_in_dim3A_198 : vector<512x512xi1>, vector<512x512xi32>
    %reduce_min3A_200 = arith.constant dense<2147483647> : vector<512xi32>
    %reduce_min3A_201 = vector.multi_reduction <minsi>, %select_n3A_199, %reduce_min3A_200 [1] : vector<512x512xi32> to vector<512xi32>
    %broadcast_in_dim3A_202 = vector.shape_cast %reduce_min3A_201 : vector<512xi32> to vector<512x1xi32>
    %eq3A_203 = vector.broadcast %broadcast_in_dim3A_202 : vector<512x1xi32> to vector<512x512xi32>
    %eq3A_204 = arith.cmpi eq, %iota3A, %eq3A_203 : vector<512x512xi32>
    %jit3A_205 = arith.constant 0x7F800000 : f32
    %broadcast_in_dim3A_206 = vector.broadcast %jit3A_205 : f32 to vector<512x512xf32>
    %select_n3A_207 = arith.select %eq3A_204, %broadcast_in_dim3A_206, %select_n3A_191 : vector<512x512xi1>, vector<512x512xf32>
    %reduce_min3A_208 = arith.constant dense<0x7F800000> : vector<512xf32>
    %reduce_min3A_209 = vector.multi_reduction <minimumf>, %select_n3A_207, %reduce_min3A_208 [1] : vector<512x512xf32> to vector<512xf32>
    %broadcast_in_dim3A_210 = vector.shape_cast %reduce_min3A_209 : vector<512xf32> to vector<512x1xf32>
    %eq3A_211 = vector.broadcast %broadcast_in_dim3A_210 : vector<512x1xf32> to vector<512x512xf32>
    %eq3A_212 = arith.cmpf oeq, %select_n3A_207, %eq3A_211 : vector<512x512xf32>
    %jit3A_213 = arith.constant 513 : i32
    %broadcast_in_dim3A_214 = vector.broadcast %jit3A_213 : i32 to vector<512x512xi32>
    %select_n3A_215 = arith.select %eq3A_212, %iota3A, %broadcast_in_dim3A_214 : vector<512x512xi1>, vector<512x512xi32>
    %reduce_min3A_216 = arith.constant dense<2147483647> : vector<512xi32>
    %reduce_min3A_217 = vector.multi_reduction <minsi>, %select_n3A_215, %reduce_min3A_216 [1] : vector<512x512xi32> to vector<512xi32>
    %broadcast_in_dim3A_218 = vector.shape_cast %reduce_min3A_217 : vector<512xi32> to vector<512x1xi32>
    %eq3A_219 = vector.broadcast %broadcast_in_dim3A_218 : vector<512x1xi32> to vector<512x512xi32>
    %eq3A_220 = arith.cmpi eq, %iota3A, %eq3A_219 : vector<512x512xi32>
    %jit3A_221 = arith.constant 0x7F800000 : f32
    %broadcast_in_dim3A_222 = vector.broadcast %jit3A_221 : f32 to vector<512x512xf32>
    %select_n3A_223 = arith.select %eq3A_220, %broadcast_in_dim3A_222, %select_n3A_207 : vector<512x512xi1>, vector<512x512xf32>
    %reduce_min3A_224 = arith.constant dense<0x7F800000> : vector<512xf32>
    %reduce_min3A_225 = vector.multi_reduction <minimumf>, %select_n3A_223, %reduce_min3A_224 [1] : vector<512x512xf32> to vector<512xf32>
    %broadcast_in_dim3A_226 = vector.shape_cast %reduce_min3A_225 : vector<512xf32> to vector<512x1xf32>
    %eq3A_227 = vector.broadcast %broadcast_in_dim3A_226 : vector<512x1xf32> to vector<512x512xf32>
    %eq3A_228 = arith.cmpf oeq, %select_n3A_223, %eq3A_227 : vector<512x512xf32>
    %jit3A_229 = arith.constant 513 : i32
    %broadcast_in_dim3A_230 = vector.broadcast %jit3A_229 : i32 to vector<512x512xi32>
    %select_n3A_231 = arith.select %eq3A_228, %iota3A, %broadcast_in_dim3A_230 : vector<512x512xi1>, vector<512x512xi32>
    %reduce_min3A_232 = arith.constant dense<2147483647> : vector<512xi32>
    %reduce_min3A_233 = vector.multi_reduction <minsi>, %select_n3A_231, %reduce_min3A_232 [1] : vector<512x512xi32> to vector<512xi32>
    %broadcast_in_dim3A_234 = vector.shape_cast %reduce_min3A_233 : vector<512xi32> to vector<512x1xi32>
    %eq3A_235 = vector.broadcast %broadcast_in_dim3A_234 : vector<512x1xi32> to vector<512x512xi32>
    %eq3A_236 = arith.cmpi eq, %iota3A, %eq3A_235 : vector<512x512xi32>
    %jit3A_237 = arith.constant 0x7F800000 : f32
    %broadcast_in_dim3A_238 = vector.broadcast %jit3A_237 : f32 to vector<512x512xf32>
    %select_n3A_239 = arith.select %eq3A_236, %broadcast_in_dim3A_238, %select_n3A_223 : vector<512x512xi1>, vector<512x512xf32>
    %reduce_min3A_240 = arith.constant dense<0x7F800000> : vector<512xf32>
    %reduce_min3A_241 = vector.multi_reduction <minimumf>, %select_n3A_239, %reduce_min3A_240 [1] : vector<512x512xf32> to vector<512xf32>
    %broadcast_in_dim3A_242 = vector.shape_cast %reduce_min3A_241 : vector<512xf32> to vector<512x1xf32>
    %eq3A_243 = vector.broadcast %broadcast_in_dim3A_242 : vector<512x1xf32> to vector<512x512xf32>
    %eq3A_244 = arith.cmpf oeq, %select_n3A_239, %eq3A_243 : vector<512x512xf32>
    %jit3A_245 = arith.constant 513 : i32
    %broadcast_in_dim3A_246 = vector.broadcast %jit3A_245 : i32 to vector<512x512xi32>
    %select_n3A_247 = arith.select %eq3A_244, %iota3A, %broadcast_in_dim3A_246 : vector<512x512xi1>, vector<512x512xi32>
    %reduce_min3A_248 = arith.constant dense<2147483647> : vector<512xi32>
    %reduce_min3A_249 = vector.multi_reduction <minsi>, %select_n3A_247, %reduce_min3A_248 [1] : vector<512x512xi32> to vector<512xi32>
    %broadcast_in_dim3A_250 = vector.shape_cast %reduce_min3A_249 : vector<512xi32> to vector<512x1xi32>
    %eq3A_251 = vector.broadcast %broadcast_in_dim3A_250 : vector<512x1xi32> to vector<512x512xi32>
    %eq3A_252 = arith.cmpi eq, %iota3A, %eq3A_251 : vector<512x512xi32>
    %jit3A_253 = arith.constant 0x7F800000 : f32
    %broadcast_in_dim3A_254 = vector.broadcast %jit3A_253 : f32 to vector<512x512xf32>
    %select_n3A_255 = arith.select %eq3A_252, %broadcast_in_dim3A_254, %select_n3A_239 : vector<512x512xi1>, vector<512x512xf32>
    %reduce_min3A_256 = arith.constant dense<0x7F800000> : vector<512xf32>
    %reduce_min3A_257 = vector.multi_reduction <minimumf>, %select_n3A_255, %reduce_min3A_256 [1] : vector<512x512xf32> to vector<512xf32>
    %broadcast_in_dim3A_258 = vector.shape_cast %reduce_min3A_257 : vector<512xf32> to vector<512x1xf32>
    %eq3A_259 = vector.broadcast %broadcast_in_dim3A_258 : vector<512x1xf32> to vector<512x512xf32>
    %eq3A_260 = arith.cmpf oeq, %select_n3A_255, %eq3A_259 : vector<512x512xf32>
    %jit3A_261 = arith.constant 513 : i32
    %broadcast_in_dim3A_262 = vector.broadcast %jit3A_261 : i32 to vector<512x512xi32>
    %select_n3A_263 = arith.select %eq3A_260, %iota3A, %broadcast_in_dim3A_262 : vector<512x512xi1>, vector<512x512xi32>
    %reduce_min3A_264 = arith.constant dense<2147483647> : vector<512xi32>
    %reduce_min3A_265 = vector.multi_reduction <minsi>, %select_n3A_263, %reduce_min3A_264 [1] : vector<512x512xi32> to vector<512xi32>
    %broadcast_in_dim3A_266 = vector.shape_cast %reduce_min3A_265 : vector<512xi32> to vector<512x1xi32>
    %eq3A_267 = vector.broadcast %broadcast_in_dim3A_266 : vector<512x1xi32> to vector<512x512xi32>
    %eq3A_268 = arith.cmpi eq, %iota3A, %eq3A_267 : vector<512x512xi32>
    %jit3A_269 = arith.constant 0x7F800000 : f32
    %broadcast_in_dim3A_270 = vector.broadcast %jit3A_269 : f32 to vector<512x512xf32>
    %select_n3A_271 = arith.select %eq3A_268, %broadcast_in_dim3A_270, %select_n3A_255 : vector<512x512xi1>, vector<512x512xf32>
    %reduce_min3A_272 = arith.constant dense<0x7F800000> : vector<512xf32>
    %reduce_min3A_273 = vector.multi_reduction <minimumf>, %select_n3A_271, %reduce_min3A_272 [1] : vector<512x512xf32> to vector<512xf32>
    %broadcast_in_dim3A_274 = vector.shape_cast %reduce_min3A_273 : vector<512xf32> to vector<512x1xf32>
    %eq3A_275 = vector.broadcast %broadcast_in_dim3A_274 : vector<512x1xf32> to vector<512x512xf32>
    %eq3A_276 = arith.cmpf oeq, %select_n3A_271, %eq3A_275 : vector<512x512xf32>
    %jit3A_277 = arith.constant 513 : i32
    %broadcast_in_dim3A_278 = vector.broadcast %jit3A_277 : i32 to vector<512x512xi32>
    %select_n3A_279 = arith.select %eq3A_276, %iota3A, %broadcast_in_dim3A_278 : vector<512x512xi1>, vector<512x512xi32>
    %reduce_min3A_280 = arith.constant dense<2147483647> : vector<512xi32>
    %reduce_min3A_281 = vector.multi_reduction <minsi>, %select_n3A_279, %reduce_min3A_280 [1] : vector<512x512xi32> to vector<512xi32>
    %broadcast_in_dim3A_282 = vector.shape_cast %reduce_min3A_281 : vector<512xi32> to vector<512x1xi32>
    %eq3A_283 = vector.broadcast %broadcast_in_dim3A_282 : vector<512x1xi32> to vector<512x512xi32>
    %eq3A_284 = arith.cmpi eq, %iota3A, %eq3A_283 : vector<512x512xi32>
    %jit3A_285 = arith.constant 0x7F800000 : f32
    %broadcast_in_dim3A_286 = vector.broadcast %jit3A_285 : f32 to vector<512x512xf32>
    %select_n3A_287 = arith.select %eq3A_284, %broadcast_in_dim3A_286, %select_n3A_271 : vector<512x512xi1>, vector<512x512xf32>
    %reduce_min3A_288 = arith.constant dense<0x7F800000> : vector<512xf32>
    %reduce_min3A_289 = vector.multi_reduction <minimumf>, %select_n3A_287, %reduce_min3A_288 [1] : vector<512x512xf32> to vector<512xf32>
    %broadcast_in_dim3A_290 = vector.shape_cast %reduce_min3A_289 : vector<512xf32> to vector<512x1xf32>
    %eq3A_291 = vector.broadcast %broadcast_in_dim3A_290 : vector<512x1xf32> to vector<512x512xf32>
    %eq3A_292 = arith.cmpf oeq, %select_n3A_287, %eq3A_291 : vector<512x512xf32>
    %jit3A_293 = arith.constant 513 : i32
    %broadcast_in_dim3A_294 = vector.broadcast %jit3A_293 : i32 to vector<512x512xi32>
    %select_n3A_295 = arith.select %eq3A_292, %iota3A, %broadcast_in_dim3A_294 : vector<512x512xi1>, vector<512x512xi32>
    %reduce_min3A_296 = arith.constant dense<2147483647> : vector<512xi32>
    %reduce_min3A_297 = vector.multi_reduction <minsi>, %select_n3A_295, %reduce_min3A_296 [1] : vector<512x512xi32> to vector<512xi32>
    %broadcast_in_dim3A_298 = vector.shape_cast %reduce_min3A_297 : vector<512xi32> to vector<512x1xi32>
    %eq3A_299 = vector.broadcast %broadcast_in_dim3A_298 : vector<512x1xi32> to vector<512x512xi32>
    %eq3A_300 = arith.cmpi eq, %iota3A, %eq3A_299 : vector<512x512xi32>
    %jit3A_301 = arith.constant 0x7F800000 : f32
    %broadcast_in_dim3A_302 = vector.broadcast %jit3A_301 : f32 to vector<512x512xf32>
    %select_n3A_303 = arith.select %eq3A_300, %broadcast_in_dim3A_302, %select_n3A_287 : vector<512x512xi1>, vector<512x512xf32>
    %reduce_min3A_304 = arith.constant dense<0x7F800000> : vector<512xf32>
    %reduce_min3A_305 = vector.multi_reduction <minimumf>, %select_n3A_303, %reduce_min3A_304 [1] : vector<512x512xf32> to vector<512xf32>
    %broadcast_in_dim3A_306 = vector.shape_cast %reduce_min3A_305 : vector<512xf32> to vector<512x1xf32>
    %eq3A_307 = vector.broadcast %broadcast_in_dim3A_306 : vector<512x1xf32> to vector<512x512xf32>
    %eq3A_308 = arith.cmpf oeq, %select_n3A_303, %eq3A_307 : vector<512x512xf32>
    %jit3A_309 = arith.constant 513 : i32
    %broadcast_in_dim3A_310 = vector.broadcast %jit3A_309 : i32 to vector<512x512xi32>
    %select_n3A_311 = arith.select %eq3A_308, %iota3A, %broadcast_in_dim3A_310 : vector<512x512xi1>, vector<512x512xi32>
    %reduce_min3A_312 = arith.constant dense<2147483647> : vector<512xi32>
    %reduce_min3A_313 = vector.multi_reduction <minsi>, %select_n3A_311, %reduce_min3A_312 [1] : vector<512x512xi32> to vector<512xi32>
    %broadcast_in_dim3A_314 = vector.shape_cast %reduce_min3A_313 : vector<512xi32> to vector<512x1xi32>
    %eq3A_315 = vector.broadcast %broadcast_in_dim3A_314 : vector<512x1xi32> to vector<512x512xi32>
    %eq3A_316 = arith.cmpi eq, %iota3A, %eq3A_315 : vector<512x512xi32>
    %jit3A_317 = arith.constant 0x7F800000 : f32
    %broadcast_in_dim3A_318 = vector.broadcast %jit3A_317 : f32 to vector<512x512xf32>
    %select_n3A_319 = arith.select %eq3A_316, %broadcast_in_dim3A_318, %select_n3A_303 : vector<512x512xi1>, vector<512x512xf32>
    %reduce_min3A_320 = arith.constant dense<0x7F800000> : vector<512xf32>
    %reduce_min3A_321 = vector.multi_reduction <minimumf>, %select_n3A_319, %reduce_min3A_320 [1] : vector<512x512xf32> to vector<512xf32>
    %broadcast_in_dim3A_322 = vector.shape_cast %reduce_min3A_321 : vector<512xf32> to vector<512x1xf32>
    %eq3A_323 = vector.broadcast %broadcast_in_dim3A_322 : vector<512x1xf32> to vector<512x512xf32>
    %eq3A_324 = arith.cmpf oeq, %select_n3A_319, %eq3A_323 : vector<512x512xf32>
    %jit3A_325 = arith.constant 513 : i32
    %broadcast_in_dim3A_326 = vector.broadcast %jit3A_325 : i32 to vector<512x512xi32>
    %select_n3A_327 = arith.select %eq3A_324, %iota3A, %broadcast_in_dim3A_326 : vector<512x512xi1>, vector<512x512xi32>
    %reduce_min3A_328 = arith.constant dense<2147483647> : vector<512xi32>
    %reduce_min3A_329 = vector.multi_reduction <minsi>, %select_n3A_327, %reduce_min3A_328 [1] : vector<512x512xi32> to vector<512xi32>
    %broadcast_in_dim3A_330 = vector.shape_cast %reduce_min3A_329 : vector<512xi32> to vector<512x1xi32>
    %eq3A_331 = vector.broadcast %broadcast_in_dim3A_330 : vector<512x1xi32> to vector<512x512xi32>
    %eq3A_332 = arith.cmpi eq, %iota3A, %eq3A_331 : vector<512x512xi32>
    %jit3A_333 = arith.constant 0x7F800000 : f32
    %broadcast_in_dim3A_334 = vector.broadcast %jit3A_333 : f32 to vector<512x512xf32>
    %select_n3A_335 = arith.select %eq3A_332, %broadcast_in_dim3A_334, %select_n3A_319 : vector<512x512xi1>, vector<512x512xf32>
    %reduce_min3A_336 = arith.constant dense<0x7F800000> : vector<512xf32>
    %reduce_min3A_337 = vector.multi_reduction <minimumf>, %select_n3A_335, %reduce_min3A_336 [1] : vector<512x512xf32> to vector<512xf32>
    %broadcast_in_dim3A_338 = vector.shape_cast %reduce_min3A_337 : vector<512xf32> to vector<512x1xf32>
    %eq3A_339 = vector.broadcast %broadcast_in_dim3A_338 : vector<512x1xf32> to vector<512x512xf32>
    %eq3A_340 = arith.cmpf oeq, %select_n3A_335, %eq3A_339 : vector<512x512xf32>
    %jit3A_341 = arith.constant 513 : i32
    %broadcast_in_dim3A_342 = vector.broadcast %jit3A_341 : i32 to vector<512x512xi32>
    %select_n3A_343 = arith.select %eq3A_340, %iota3A, %broadcast_in_dim3A_342 : vector<512x512xi1>, vector<512x512xi32>
    %reduce_min3A_344 = arith.constant dense<2147483647> : vector<512xi32>
    %reduce_min3A_345 = vector.multi_reduction <minsi>, %select_n3A_343, %reduce_min3A_344 [1] : vector<512x512xi32> to vector<512xi32>
    %broadcast_in_dim3A_346 = vector.shape_cast %reduce_min3A_345 : vector<512xi32> to vector<512x1xi32>
    %eq3A_347 = vector.broadcast %broadcast_in_dim3A_346 : vector<512x1xi32> to vector<512x512xi32>
    %eq3A_348 = arith.cmpi eq, %iota3A, %eq3A_347 : vector<512x512xi32>
    %jit3A_349 = arith.constant 0x7F800000 : f32
    %broadcast_in_dim3A_350 = vector.broadcast %jit3A_349 : f32 to vector<512x512xf32>
    %select_n3A_351 = arith.select %eq3A_348, %broadcast_in_dim3A_350, %select_n3A_335 : vector<512x512xi1>, vector<512x512xf32>
    %reduce_min3A_352 = arith.constant dense<0x7F800000> : vector<512xf32>
    %reduce_min3A_353 = vector.multi_reduction <minimumf>, %select_n3A_351, %reduce_min3A_352 [1] : vector<512x512xf32> to vector<512xf32>
    %broadcast_in_dim3A_354 = vector.shape_cast %reduce_min3A_353 : vector<512xf32> to vector<512x1xf32>
    %eq3A_355 = vector.broadcast %broadcast_in_dim3A_354 : vector<512x1xf32> to vector<512x512xf32>
    %eq3A_356 = arith.cmpf oeq, %select_n3A_351, %eq3A_355 : vector<512x512xf32>
    %jit3A_357 = arith.constant 513 : i32
    %broadcast_in_dim3A_358 = vector.broadcast %jit3A_357 : i32 to vector<512x512xi32>
    %select_n3A_359 = arith.select %eq3A_356, %iota3A, %broadcast_in_dim3A_358 : vector<512x512xi1>, vector<512x512xi32>
    %reduce_min3A_360 = arith.constant dense<2147483647> : vector<512xi32>
    %reduce_min3A_361 = vector.multi_reduction <minsi>, %select_n3A_359, %reduce_min3A_360 [1] : vector<512x512xi32> to vector<512xi32>
    %broadcast_in_dim3A_362 = vector.shape_cast %reduce_min3A_361 : vector<512xi32> to vector<512x1xi32>
    %eq3A_363 = vector.broadcast %broadcast_in_dim3A_362 : vector<512x1xi32> to vector<512x512xi32>
    %eq3A_364 = arith.cmpi eq, %iota3A, %eq3A_363 : vector<512x512xi32>
    %jit3A_365 = arith.constant 0x7F800000 : f32
    %broadcast_in_dim3A_366 = vector.broadcast %jit3A_365 : f32 to vector<512x512xf32>
    %select_n3A_367 = arith.select %eq3A_364, %broadcast_in_dim3A_366, %select_n3A_351 : vector<512x512xi1>, vector<512x512xf32>
    %reduce_min3A_368 = arith.constant dense<0x7F800000> : vector<512xf32>
    %reduce_min3A_369 = vector.multi_reduction <minimumf>, %select_n3A_367, %reduce_min3A_368 [1] : vector<512x512xf32> to vector<512xf32>
    %broadcast_in_dim3A_370 = vector.shape_cast %reduce_min3A_369 : vector<512xf32> to vector<512x1xf32>
    %eq3A_371 = vector.broadcast %broadcast_in_dim3A_370 : vector<512x1xf32> to vector<512x512xf32>
    %eq3A_372 = arith.cmpf oeq, %select_n3A_367, %eq3A_371 : vector<512x512xf32>
    %jit3A_373 = arith.constant 513 : i32
    %broadcast_in_dim3A_374 = vector.broadcast %jit3A_373 : i32 to vector<512x512xi32>
    %select_n3A_375 = arith.select %eq3A_372, %iota3A, %broadcast_in_dim3A_374 : vector<512x512xi1>, vector<512x512xi32>
    %reduce_min3A_376 = arith.constant dense<2147483647> : vector<512xi32>
    %reduce_min3A_377 = vector.multi_reduction <minsi>, %select_n3A_375, %reduce_min3A_376 [1] : vector<512x512xi32> to vector<512xi32>
    %broadcast_in_dim3A_378 = vector.shape_cast %reduce_min3A_377 : vector<512xi32> to vector<512x1xi32>
    %eq3A_379 = vector.broadcast %broadcast_in_dim3A_378 : vector<512x1xi32> to vector<512x512xi32>
    %eq3A_380 = arith.cmpi eq, %iota3A, %eq3A_379 : vector<512x512xi32>
    %jit3A_381 = arith.constant 0x7F800000 : f32
    %broadcast_in_dim3A_382 = vector.broadcast %jit3A_381 : f32 to vector<512x512xf32>
    %select_n3A_383 = arith.select %eq3A_380, %broadcast_in_dim3A_382, %select_n3A_367 : vector<512x512xi1>, vector<512x512xf32>
    %reduce_min3A_384 = arith.constant dense<0x7F800000> : vector<512xf32>
    %reduce_min3A_385 = vector.multi_reduction <minimumf>, %select_n3A_383, %reduce_min3A_384 [1] : vector<512x512xf32> to vector<512xf32>
    %broadcast_in_dim3A_386 = vector.shape_cast %reduce_min3A_385 : vector<512xf32> to vector<512x1xf32>
    %eq3A_387 = vector.broadcast %broadcast_in_dim3A_386 : vector<512x1xf32> to vector<512x512xf32>
    %eq3A_388 = arith.cmpf oeq, %select_n3A_383, %eq3A_387 : vector<512x512xf32>
    %jit3A_389 = arith.constant 513 : i32
    %broadcast_in_dim3A_390 = vector.broadcast %jit3A_389 : i32 to vector<512x512xi32>
    %select_n3A_391 = arith.select %eq3A_388, %iota3A, %broadcast_in_dim3A_390 : vector<512x512xi1>, vector<512x512xi32>
    %reduce_min3A_392 = arith.constant dense<2147483647> : vector<512xi32>
    %reduce_min3A_393 = vector.multi_reduction <minsi>, %select_n3A_391, %reduce_min3A_392 [1] : vector<512x512xi32> to vector<512xi32>
    %broadcast_in_dim3A_394 = vector.shape_cast %reduce_min3A_393 : vector<512xi32> to vector<512x1xi32>
    %eq3A_395 = vector.broadcast %broadcast_in_dim3A_394 : vector<512x1xi32> to vector<512x512xi32>
    %eq3A_396 = arith.cmpi eq, %iota3A, %eq3A_395 : vector<512x512xi32>
    %jit3A_397 = arith.constant 0x7F800000 : f32
    %broadcast_in_dim3A_398 = vector.broadcast %jit3A_397 : f32 to vector<512x512xf32>
    %select_n3A_399 = arith.select %eq3A_396, %broadcast_in_dim3A_398, %select_n3A_383 : vector<512x512xi1>, vector<512x512xf32>
    %reduce_min3A_400 = arith.constant dense<0x7F800000> : vector<512xf32>
    %reduce_min3A_401 = vector.multi_reduction <minimumf>, %select_n3A_399, %reduce_min3A_400 [1] : vector<512x512xf32> to vector<512xf32>
    %broadcast_in_dim3A_402 = vector.shape_cast %reduce_min3A_401 : vector<512xf32> to vector<512x1xf32>
    %eq3A_403 = vector.broadcast %broadcast_in_dim3A_402 : vector<512x1xf32> to vector<512x512xf32>
    %eq3A_404 = arith.cmpf oeq, %select_n3A_399, %eq3A_403 : vector<512x512xf32>
    %jit3A_405 = arith.constant 513 : i32
    %broadcast_in_dim3A_406 = vector.broadcast %jit3A_405 : i32 to vector<512x512xi32>
    %select_n3A_407 = arith.select %eq3A_404, %iota3A, %broadcast_in_dim3A_406 : vector<512x512xi1>, vector<512x512xi32>
    %reduce_min3A_408 = arith.constant dense<2147483647> : vector<512xi32>
    %reduce_min3A_409 = vector.multi_reduction <minsi>, %select_n3A_407, %reduce_min3A_408 [1] : vector<512x512xi32> to vector<512xi32>
    %broadcast_in_dim3A_410 = vector.shape_cast %reduce_min3A_409 : vector<512xi32> to vector<512x1xi32>
    %eq3A_411 = vector.broadcast %broadcast_in_dim3A_410 : vector<512x1xi32> to vector<512x512xi32>
    %eq3A_412 = arith.cmpi eq, %iota3A, %eq3A_411 : vector<512x512xi32>
    %jit3A_413 = arith.constant 0x7F800000 : f32
    %broadcast_in_dim3A_414 = vector.broadcast %jit3A_413 : f32 to vector<512x512xf32>
    %select_n3A_415 = arith.select %eq3A_412, %broadcast_in_dim3A_414, %select_n3A_399 : vector<512x512xi1>, vector<512x512xf32>
    %reduce_min3A_416 = arith.constant dense<0x7F800000> : vector<512xf32>
    %reduce_min3A_417 = vector.multi_reduction <minimumf>, %select_n3A_415, %reduce_min3A_416 [1] : vector<512x512xf32> to vector<512xf32>
    %broadcast_in_dim3A_418 = vector.shape_cast %reduce_min3A_417 : vector<512xf32> to vector<512x1xf32>
    %eq3A_419 = vector.broadcast %broadcast_in_dim3A_418 : vector<512x1xf32> to vector<512x512xf32>
    %eq3A_420 = arith.cmpf oeq, %select_n3A_415, %eq3A_419 : vector<512x512xf32>
    %jit3A_421 = arith.constant 513 : i32
    %broadcast_in_dim3A_422 = vector.broadcast %jit3A_421 : i32 to vector<512x512xi32>
    %select_n3A_423 = arith.select %eq3A_420, %iota3A, %broadcast_in_dim3A_422 : vector<512x512xi1>, vector<512x512xi32>
    %reduce_min3A_424 = arith.constant dense<2147483647> : vector<512xi32>
    %reduce_min3A_425 = vector.multi_reduction <minsi>, %select_n3A_423, %reduce_min3A_424 [1] : vector<512x512xi32> to vector<512xi32>
    %broadcast_in_dim3A_426 = vector.shape_cast %reduce_min3A_425 : vector<512xi32> to vector<512x1xi32>
    %eq3A_427 = vector.broadcast %broadcast_in_dim3A_426 : vector<512x1xi32> to vector<512x512xi32>
    %eq3A_428 = arith.cmpi eq, %iota3A, %eq3A_427 : vector<512x512xi32>
    %jit3A_429 = arith.constant 0x7F800000 : f32
    %broadcast_in_dim3A_430 = vector.broadcast %jit3A_429 : f32 to vector<512x512xf32>
    %select_n3A_431 = arith.select %eq3A_428, %broadcast_in_dim3A_430, %select_n3A_415 : vector<512x512xi1>, vector<512x512xf32>
    %reduce_min3A_432 = arith.constant dense<0x7F800000> : vector<512xf32>
    %reduce_min3A_433 = vector.multi_reduction <minimumf>, %select_n3A_431, %reduce_min3A_432 [1] : vector<512x512xf32> to vector<512xf32>
    %broadcast_in_dim3A_434 = vector.shape_cast %reduce_min3A_433 : vector<512xf32> to vector<512x1xf32>
    %eq3A_435 = vector.broadcast %broadcast_in_dim3A_434 : vector<512x1xf32> to vector<512x512xf32>
    %eq3A_436 = arith.cmpf oeq, %select_n3A_431, %eq3A_435 : vector<512x512xf32>
    %jit3A_437 = arith.constant 513 : i32
    %broadcast_in_dim3A_438 = vector.broadcast %jit3A_437 : i32 to vector<512x512xi32>
    %select_n3A_439 = arith.select %eq3A_436, %iota3A, %broadcast_in_dim3A_438 : vector<512x512xi1>, vector<512x512xi32>
    %reduce_min3A_440 = arith.constant dense<2147483647> : vector<512xi32>
    %reduce_min3A_441 = vector.multi_reduction <minsi>, %select_n3A_439, %reduce_min3A_440 [1] : vector<512x512xi32> to vector<512xi32>
    %broadcast_in_dim3A_442 = vector.shape_cast %reduce_min3A_441 : vector<512xi32> to vector<512x1xi32>
    %eq3A_443 = vector.broadcast %broadcast_in_dim3A_442 : vector<512x1xi32> to vector<512x512xi32>
    %eq3A_444 = arith.cmpi eq, %iota3A, %eq3A_443 : vector<512x512xi32>
    %jit3A_445 = arith.constant 0x7F800000 : f32
    %broadcast_in_dim3A_446 = vector.broadcast %jit3A_445 : f32 to vector<512x512xf32>
    %select_n3A_447 = arith.select %eq3A_444, %broadcast_in_dim3A_446, %select_n3A_431 : vector<512x512xi1>, vector<512x512xf32>
    %reduce_min3A_448 = arith.constant dense<0x7F800000> : vector<512xf32>
    %reduce_min3A_449 = vector.multi_reduction <minimumf>, %select_n3A_447, %reduce_min3A_448 [1] : vector<512x512xf32> to vector<512xf32>
    %broadcast_in_dim3A_450 = vector.shape_cast %reduce_min3A_449 : vector<512xf32> to vector<512x1xf32>
    %eq3A_451 = vector.broadcast %broadcast_in_dim3A_450 : vector<512x1xf32> to vector<512x512xf32>
    %eq3A_452 = arith.cmpf oeq, %select_n3A_447, %eq3A_451 : vector<512x512xf32>
    %jit3A_453 = arith.constant 513 : i32
    %broadcast_in_dim3A_454 = vector.broadcast %jit3A_453 : i32 to vector<512x512xi32>
    %select_n3A_455 = arith.select %eq3A_452, %iota3A, %broadcast_in_dim3A_454 : vector<512x512xi1>, vector<512x512xi32>
    %reduce_min3A_456 = arith.constant dense<2147483647> : vector<512xi32>
    %reduce_min3A_457 = vector.multi_reduction <minsi>, %select_n3A_455, %reduce_min3A_456 [1] : vector<512x512xi32> to vector<512xi32>
    %broadcast_in_dim3A_458 = vector.shape_cast %reduce_min3A_457 : vector<512xi32> to vector<512x1xi32>
    %eq3A_459 = vector.broadcast %broadcast_in_dim3A_458 : vector<512x1xi32> to vector<512x512xi32>
    %eq3A_460 = arith.cmpi eq, %iota3A, %eq3A_459 : vector<512x512xi32>
    %jit3A_461 = arith.constant 0x7F800000 : f32
    %broadcast_in_dim3A_462 = vector.broadcast %jit3A_461 : f32 to vector<512x512xf32>
    %select_n3A_463 = arith.select %eq3A_460, %broadcast_in_dim3A_462, %select_n3A_447 : vector<512x512xi1>, vector<512x512xf32>
    %reduce_min3A_464 = arith.constant dense<0x7F800000> : vector<512xf32>
    %reduce_min3A_465 = vector.multi_reduction <minimumf>, %select_n3A_463, %reduce_min3A_464 [1] : vector<512x512xf32> to vector<512xf32>
    %broadcast_in_dim3A_466 = vector.shape_cast %reduce_min3A_465 : vector<512xf32> to vector<512x1xf32>
    %eq3A_467 = vector.broadcast %broadcast_in_dim3A_466 : vector<512x1xf32> to vector<512x512xf32>
    %eq3A_468 = arith.cmpf oeq, %select_n3A_463, %eq3A_467 : vector<512x512xf32>
    %jit3A_469 = arith.constant 513 : i32
    %broadcast_in_dim3A_470 = vector.broadcast %jit3A_469 : i32 to vector<512x512xi32>
    %select_n3A_471 = arith.select %eq3A_468, %iota3A, %broadcast_in_dim3A_470 : vector<512x512xi1>, vector<512x512xi32>
    %reduce_min3A_472 = arith.constant dense<2147483647> : vector<512xi32>
    %reduce_min3A_473 = vector.multi_reduction <minsi>, %select_n3A_471, %reduce_min3A_472 [1] : vector<512x512xi32> to vector<512xi32>
    %broadcast_in_dim3A_474 = vector.shape_cast %reduce_min3A_473 : vector<512xi32> to vector<512x1xi32>
    %eq3A_475 = vector.broadcast %broadcast_in_dim3A_474 : vector<512x1xi32> to vector<512x512xi32>
    %eq3A_476 = arith.cmpi eq, %iota3A, %eq3A_475 : vector<512x512xi32>
    %jit3A_477 = arith.constant 0x7F800000 : f32
    %broadcast_in_dim3A_478 = vector.broadcast %jit3A_477 : f32 to vector<512x512xf32>
    %select_n3A_479 = arith.select %eq3A_476, %broadcast_in_dim3A_478, %select_n3A_463 : vector<512x512xi1>, vector<512x512xf32>
    %reduce_min3A_480 = arith.constant dense<0x7F800000> : vector<512xf32>
    %reduce_min3A_481 = vector.multi_reduction <minimumf>, %select_n3A_479, %reduce_min3A_480 [1] : vector<512x512xf32> to vector<512xf32>
    %broadcast_in_dim3A_482 = vector.shape_cast %reduce_min3A_481 : vector<512xf32> to vector<512x1xf32>
    %eq3A_483 = vector.broadcast %broadcast_in_dim3A_482 : vector<512x1xf32> to vector<512x512xf32>
    %eq3A_484 = arith.cmpf oeq, %select_n3A_479, %eq3A_483 : vector<512x512xf32>
    %jit3A_485 = arith.constant 513 : i32
    %broadcast_in_dim3A_486 = vector.broadcast %jit3A_485 : i32 to vector<512x512xi32>
    %select_n3A_487 = arith.select %eq3A_484, %iota3A, %broadcast_in_dim3A_486 : vector<512x512xi1>, vector<512x512xi32>
    %reduce_min3A_488 = arith.constant dense<2147483647> : vector<512xi32>
    %reduce_min3A_489 = vector.multi_reduction <minsi>, %select_n3A_487, %reduce_min3A_488 [1] : vector<512x512xi32> to vector<512xi32>
    %broadcast_in_dim3A_490 = vector.shape_cast %reduce_min3A_489 : vector<512xi32> to vector<512x1xi32>
    %eq3A_491 = vector.broadcast %broadcast_in_dim3A_490 : vector<512x1xi32> to vector<512x512xi32>
    %eq3A_492 = arith.cmpi eq, %iota3A, %eq3A_491 : vector<512x512xi32>
    %jit3A_493 = arith.constant 0x7F800000 : f32
    %broadcast_in_dim3A_494 = vector.broadcast %jit3A_493 : f32 to vector<512x512xf32>
    %select_n3A_495 = arith.select %eq3A_492, %broadcast_in_dim3A_494, %select_n3A_479 : vector<512x512xi1>, vector<512x512xf32>
    %reduce_min3A_496 = arith.constant dense<0x7F800000> : vector<512xf32>
    %reduce_min3A_497 = vector.multi_reduction <minimumf>, %select_n3A_495, %reduce_min3A_496 [1] : vector<512x512xf32> to vector<512xf32>
    %broadcast_in_dim3A_498 = vector.shape_cast %reduce_min3A_497 : vector<512xf32> to vector<512x1xf32>
    %eq3A_499 = vector.broadcast %broadcast_in_dim3A_498 : vector<512x1xf32> to vector<512x512xf32>
    %eq3A_500 = arith.cmpf oeq, %select_n3A_495, %eq3A_499 : vector<512x512xf32>
    %jit3A_501 = arith.constant 513 : i32
    %broadcast_in_dim3A_502 = vector.broadcast %jit3A_501 : i32 to vector<512x512xi32>
    %select_n3A_503 = arith.select %eq3A_500, %iota3A, %broadcast_in_dim3A_502 : vector<512x512xi1>, vector<512x512xi32>
    %reduce_min3A_504 = arith.constant dense<2147483647> : vector<512xi32>
    %reduce_min3A_505 = vector.multi_reduction <minsi>, %select_n3A_503, %reduce_min3A_504 [1] : vector<512x512xi32> to vector<512xi32>
    %broadcast_in_dim3A_506 = vector.shape_cast %reduce_min3A_505 : vector<512xi32> to vector<512x1xi32>
    %eq3A_507 = vector.broadcast %broadcast_in_dim3A_506 : vector<512x1xi32> to vector<512x512xi32>
    %eq3A_508 = arith.cmpi eq, %iota3A, %eq3A_507 : vector<512x512xi32>
    %jit3A_509 = arith.constant 0x7F800000 : f32
    %broadcast_in_dim3A_510 = vector.broadcast %jit3A_509 : f32 to vector<512x512xf32>
    %select_n3A_511 = arith.select %eq3A_508, %broadcast_in_dim3A_510, %select_n3A_495 : vector<512x512xi1>, vector<512x512xf32>
    %reduce_min3A_512 = arith.constant dense<0x7F800000> : vector<512xf32>
    %reduce_min3A_513 = vector.multi_reduction <minimumf>, %select_n3A_511, %reduce_min3A_512 [1] : vector<512x512xf32> to vector<512xf32>
    %broadcast_in_dim3A_514 = vector.shape_cast %reduce_min3A_513 : vector<512xf32> to vector<512x1xf32>
    %eq3A_515 = vector.broadcast %broadcast_in_dim3A_514 : vector<512x1xf32> to vector<512x512xf32>
    %eq3A_516 = arith.cmpf oeq, %select_n3A_511, %eq3A_515 : vector<512x512xf32>
    %jit3A_517 = arith.constant 513 : i32
    %broadcast_in_dim3A_518 = vector.broadcast %jit3A_517 : i32 to vector<512x512xi32>
    %select_n3A_519 = arith.select %eq3A_516, %iota3A, %broadcast_in_dim3A_518 : vector<512x512xi1>, vector<512x512xi32>
    %reduce_min3A_520 = arith.constant dense<2147483647> : vector<512xi32>
    %reduce_min3A_521 = vector.multi_reduction <minsi>, %select_n3A_519, %reduce_min3A_520 [1] : vector<512x512xi32> to vector<512xi32>
    %broadcast_in_dim3A_522 = vector.shape_cast %reduce_min3A_521 : vector<512xi32> to vector<512x1xi32>
    %eq3A_523 = vector.broadcast %broadcast_in_dim3A_522 : vector<512x1xi32> to vector<512x512xi32>
    %eq3A_524 = arith.cmpi eq, %iota3A, %eq3A_523 : vector<512x512xi32>
    %jit3A_525 = arith.constant 0x7F800000 : f32
    %broadcast_in_dim3A_526 = vector.broadcast %jit3A_525 : f32 to vector<512x512xf32>
    %select_n3A_527 = arith.select %eq3A_524, %broadcast_in_dim3A_526, %select_n3A_511 : vector<512x512xi1>, vector<512x512xf32>
    %reduce_min3A_528 = arith.constant dense<0x7F800000> : vector<512xf32>
    %reduce_min3A_529 = vector.multi_reduction <minimumf>, %select_n3A_527, %reduce_min3A_528 [1] : vector<512x512xf32> to vector<512xf32>
    %broadcast_in_dim3A_530 = vector.shape_cast %reduce_min3A_529 : vector<512xf32> to vector<512x1xf32>
    %eq3A_531 = vector.broadcast %broadcast_in_dim3A_530 : vector<512x1xf32> to vector<512x512xf32>
    %eq3A_532 = arith.cmpf oeq, %select_n3A_527, %eq3A_531 : vector<512x512xf32>
    %jit3A_533 = arith.constant 513 : i32
    %broadcast_in_dim3A_534 = vector.broadcast %jit3A_533 : i32 to vector<512x512xi32>
    %select_n3A_535 = arith.select %eq3A_532, %iota3A, %broadcast_in_dim3A_534 : vector<512x512xi1>, vector<512x512xi32>
    %reduce_min3A_536 = arith.constant dense<2147483647> : vector<512xi32>
    %reduce_min3A_537 = vector.multi_reduction <minsi>, %select_n3A_535, %reduce_min3A_536 [1] : vector<512x512xi32> to vector<512xi32>
    %broadcast_in_dim3A_538 = vector.shape_cast %reduce_min3A_537 : vector<512xi32> to vector<512x1xi32>
    %eq3A_539 = vector.broadcast %broadcast_in_dim3A_538 : vector<512x1xi32> to vector<512x512xi32>
    %eq3A_540 = arith.cmpi eq, %iota3A, %eq3A_539 : vector<512x512xi32>
    %jit3A_541 = arith.constant 0x7F800000 : f32
    %broadcast_in_dim3A_542 = vector.broadcast %jit3A_541 : f32 to vector<512x512xf32>
    %select_n3A_543 = arith.select %eq3A_540, %broadcast_in_dim3A_542, %select_n3A_527 : vector<512x512xi1>, vector<512x512xf32>
    %reduce_min3A_544 = arith.constant dense<0x7F800000> : vector<512xf32>
    %reduce_min3A_545 = vector.multi_reduction <minimumf>, %select_n3A_543, %reduce_min3A_544 [1] : vector<512x512xf32> to vector<512xf32>
    %broadcast_in_dim3A_546 = vector.shape_cast %reduce_min3A_545 : vector<512xf32> to vector<512x1xf32>
    %eq3A_547 = vector.broadcast %broadcast_in_dim3A_546 : vector<512x1xf32> to vector<512x512xf32>
    %eq3A_548 = arith.cmpf oeq, %select_n3A_543, %eq3A_547 : vector<512x512xf32>
    %jit3A_549 = arith.constant 513 : i32
    %broadcast_in_dim3A_550 = vector.broadcast %jit3A_549 : i32 to vector<512x512xi32>
    %select_n3A_551 = arith.select %eq3A_548, %iota3A, %broadcast_in_dim3A_550 : vector<512x512xi1>, vector<512x512xi32>
    %reduce_min3A_552 = arith.constant dense<2147483647> : vector<512xi32>
    %reduce_min3A_553 = vector.multi_reduction <minsi>, %select_n3A_551, %reduce_min3A_552 [1] : vector<512x512xi32> to vector<512xi32>
    %broadcast_in_dim3A_554 = vector.shape_cast %reduce_min3A_553 : vector<512xi32> to vector<512x1xi32>
    %concatenate3A_555 = tpu.concatenate %broadcast_in_dim3A_90, %broadcast_in_dim3A_106, %broadcast_in_dim3A_122, %broadcast_in_dim3A_138, %broadcast_in_dim3A_154, %broadcast_in_dim3A_170, %broadcast_in_dim3A_186, %broadcast_in_dim3A_202, %broadcast_in_dim3A_218, %broadcast_in_dim3A_234, %broadcast_in_dim3A_250, %broadcast_in_dim3A_266, %broadcast_in_dim3A_282, %broadcast_in_dim3A_298, %broadcast_in_dim3A_314, %broadcast_in_dim3A_330, %broadcast_in_dim3A_346, %broadcast_in_dim3A_362, %broadcast_in_dim3A_378, %broadcast_in_dim3A_394, %broadcast_in_dim3A_410, %broadcast_in_dim3A_426, %broadcast_in_dim3A_442, %broadcast_in_dim3A_458, %broadcast_in_dim3A_474, %broadcast_in_dim3A_490, %broadcast_in_dim3A_506, %broadcast_in_dim3A_522, %broadcast_in_dim3A_538, %broadcast_in_dim3A_554 in 1 : vector<512x1xi32>, vector<512x1xi32>, vector<512x1xi32>, vector<512x1xi32>, vector<512x1xi32>, vector<512x1xi32>, vector<512x1xi32>, vector<512x1xi32>, vector<512x1xi32>, vector<512x1xi32>, vector<512x1xi32>, vector<512x1xi32>, vector<512x1xi32>, vector<512x1xi32>, vector<512x1xi32>, vector<512x1xi32>, vector<512x1xi32>, vector<512x1xi32>, vector<512x1xi32>, vector<512x1xi32>, vector<512x1xi32>, vector<512x1xi32>, vector<512x1xi32>, vector<512x1xi32>, vector<512x1xi32>, vector<512x1xi32>, vector<512x1xi32>, vector<512x1xi32>, vector<512x1xi32>, vector<512x1xi32> -> vector<512x30xi32>
    %swap3A_556 = arith.constant 0 : index
    %swap3A_557 = arith.constant 0 : index
    %swap3A_558 = arith.constant 0 : index
    %swap3A_559 = vector.load %arg4[%swap3A_556, %swap3A_557, %swap3A_558] : memref<1x512x30xi32, #tpu.memory_space<vmem>>, vector<1x512x30xi32>
    %swap3A_560 = vector.shape_cast %swap3A_559 : vector<1x512x30xi32> to vector<512x30xi32>
    %swap3A_561 = vector.shape_cast %concatenate3A_555 : vector<512x30xi32> to vector<1x512x30xi32>
    tpu.vector_store %arg4[%swap3A_556, %swap3A_557, %swap3A_558], %swap3A_561 {strides = array<i32>} : memref<1x512x30xi32, #tpu.memory_space<vmem>>, vector<1x512x30xi32>,
    %iota3A_562 = tpu.iota {dimensions = array<i32: 0>} : vector<512x1xi32>
    %mul3A_563 = arith.constant 512 : i32
    %mul3A_564 = arith.muli %arg0, %mul3A_563 : i32
    %add3A_565 = vector.broadcast %mul3A_564 : i32 to vector<512x30xi32>
    %add3A_566 = arith.addi %concatenate3A_555, %add3A_565 : vector<512x30xi32>
    %swap3A_567 = arith.constant 0 : index
    %swap3A_568 = arith.constant 0 : index
    %swap3A_569 = arith.constant 0 : index
    %swap3A_570 = arith.constant 0 : index
    %swap3A_571 = vector.load %arg5[%swap3A_567, %swap3A_568, %swap3A_569, %swap3A_570] : memref<1x2x512x30xi32, #tpu.memory_space<vmem>>, vector<1x1x512x30xi32>
    %swap3A_572 = vector.shape_cast %swap3A_571 : vector<1x1x512x30xi32> to vector<512x30xi32>
    %swap3A_573 = vector.shape_cast %add3A_566 : vector<512x30xi32> to vector<1x1x512x30xi32>
    tpu.vector_store %arg5[%swap3A_567, %swap3A_568, %swap3A_569, %swap3A_570], %swap3A_573 {strides = array<i32>} : memref<1x2x512x30xi32, #tpu.memory_space<vmem>>, vector<1x1x512x30xi32>,
    %mul3A_574 = arith.constant 512 : i32
    %mul3A_575 = arith.muli %arg0, %mul3A_574 : i32
    %add3A_576 = vector.broadcast %mul3A_575 : i32 to vector<512x1xi32>
    %add3A_577 = arith.addi %iota3A_562, %add3A_576 : vector<512x1xi32>
    %broadcast_in_dim3A_578 = vector.shape_cast %add3A_577 : vector<512x1xi32> to vector<512x1xi32>
    %broadcast_in_dim3A_579 = vector.broadcast %broadcast_in_dim3A_578 : vector<512x1xi32> to vector<512x30xi32>
    %swap3A_580 = arith.constant 0 : index
    %swap3A_581 = arith.constant 1 : index
    %swap3A_582 = arith.constant 0 : index
    %swap3A_583 = arith.constant 0 : index
    %swap3A_584 = vector.load %arg5[%swap3A_580, %swap3A_581, %swap3A_582, %swap3A_583] : memref<1x2x512x30xi32, #tpu.memory_space<vmem>>, vector<1x1x512x30xi32>
    %swap3A_585 = vector.shape_cast %swap3A_584 : vector<1x1x512x30xi32> to vector<512x30xi32>
    %swap3A_586 = vector.shape_cast %broadcast_in_dim3A_579 : vector<512x30xi32> to vector<1x1x512x30xi32>
    tpu.vector_store %arg5[%swap3A_580, %swap3A_581, %swap3A_582, %swap3A_583], %swap3A_586 {strides = array<i32>} : memref<1x2x512x30xi32, #tpu.memory_space<vmem>>, vector<1x1x512x30xi32>,
    %sub3A_587 = vector.broadcast %iota3A_562 : vector<512x1xi32> to vector<512x30xi32>
    %sub3A_588 = arith.subi %sub3A_587, %concatenate3A_555 : vector<512x30xi32>
    %add3A_589 = arith.constant 32 : i32
    %add3A_590 = vector.broadcast %add3A_589 : i32 to vector<512x30xi32>
    %add3A_591 = arith.addi %sub3A_588, %add3A_590 : vector<512x30xi32>
    %jit3A_592 = arith.constant 0 : i32
    %jit3A_593 = arith.constant 64 : i32
    %max3A = vector.broadcast %jit3A_592 : i32 to vector<512x30xi32>
    %max3A_594 = arith.maxsi %max3A, %add3A_591 : vector<512x30xi32>
    %min3A = vector.broadcast %jit3A_593 : i32 to vector<512x30xi32>
    %min3A_595 = arith.minsi %min3A, %max3A_594 : vector<512x30xi32>
    %swap3A_596 = arith.constant 0 : index
    %swap3A_597 = arith.constant 0 : index
    %swap3A_598 = arith.constant 0 : index
    %swap3A_599 = vector.load %arg6[%swap3A_596, %swap3A_597, %swap3A_598] : memref<1x512x30xi32, #tpu.memory_space<vmem>>, vector<1x512x30xi32>
    %swap3A_600 = vector.shape_cast %swap3A_599 : vector<1x512x30xi32> to vector<512x30xi32>
    %swap3A_601 = vector.shape_cast %min3A_595 : vector<512x30xi32> to vector<1x512x30xi32>
    tpu.vector_store %arg6[%swap3A_596, %swap3A_597, %swap3A_598], %swap3A_601 {strides = array<i32>} : memref<1x512x30xi32, #tpu.memory_space<vmem>>, vector<1x512x30xi32>,
    return
  }
  func.func @transform_0(%arg0: i32) -> (i32, i32, i32) {
    %c0_i32 = arith.constant 0 : i32
    %c0_i32_0 = arith.constant 0 : i32
    %c0_i32_1 = arith.constant 0 : i32
    return %arg0, %c0_i32, %c0_i32_0 : i32, i32, i32
  }
  func.func @transform_1(%arg0: i32) -> (i32, i32, i32) {
    %c0_i32 = arith.constant 0 : i32
    %c0_i32_0 = arith.constant 0 : i32
    %c0_i32_1 = arith.constant 0 : i32
    return %arg0, %c0_i32, %c0_i32_0 : i32, i32, i32
  }
  func.func @transform_2(%arg0: i32) -> (i32, i32, i32) {
    %c0_i32 = arith.constant 0 : i32
    %c0_i32_0 = arith.constant 0 : i32
    %c0_i32_1 = arith.constant 0 : i32
    return %arg0, %c0_i32, %c0_i32_0 : i32, i32, i32
  }
  func.func @transform_3(%arg0: i32) -> (i32, i32, i32) {
    %c0_i32 = arith.constant 0 : i32
    %c0_i32_0 = arith.constant 0 : i32
    %c0_i32_1 = arith.constant 0 : i32
    return %arg0, %c0_i32, %c0_i32_0 : i32, i32, i32
  }
  func.func @transform_4(%arg0: i32) -> (i32, i32, i32, i32) {
    %c0_i32 = arith.constant 0 : i32
    %c0_i32_0 = arith.constant 0 : i32
    %c0_i32_1 = arith.constant 0 : i32
    %c0_i32_2 = arith.constant 0 : i32
    return %arg0, %c0_i32, %c0_i32_0, %c0_i32_1 : i32, i32, i32, i32
  }
  func.func @transform_5(%arg0: i32) -> (i32, i32, i32) {
    %c0_i32 = arith.constant 0 : i32
    %c0_i32_0 = arith.constant 0 : i32
    %c0_i32_1 = arith.constant 0 : i32
    return %arg0, %c0_i32, %c0_i32_0 : i32, i32, i32
  }
}

module attributes {stable_mosaic.version = 14 : i64} {
  func.func @_node_body(%arg0: i32, %arg1: memref<1x1x256xi32, #tpu.memory_space<vmem>>, %arg2: memref<1x256x1280xf32, #tpu.memory_space<vmem>>, %arg3: memref<8x128xf32, #tpu.memory_space<vmem>>, %arg4: memref<1x128xf32, #tpu.memory_space<vmem>>, %arg5: memref<1x128xf32, #tpu.memory_space<vmem>>, %arg6: memref<1x128xf32, #tpu.memory_space<vmem>>, %arg7: memref<1280x128xf32, #tpu.memory_space<vmem>>, %arg8: memref<1x128xf32, #tpu.memory_space<vmem>>, %arg9: memref<1x128xf32, #tpu.memory_space<vmem>>, %arg10: memref<1x128xf32, #tpu.memory_space<vmem>>, %arg11: memref<256x128xf32, #tpu.memory_space<vmem>>, %arg12: memref<1x128xf32, #tpu.memory_space<vmem>>, %arg13: memref<1x128xf32, #tpu.memory_space<vmem>>, %arg14: memref<1x128xf32, #tpu.memory_space<vmem>>, %arg15: memref<1x256x128xf32, #tpu.memory_space<vmem>>) attributes {dimension_semantics = [#tpu.dimension_semantics<parallel>], iteration_bounds = array<i64: 4>, scalar_prefetch = 0 : i64, scratch_operands = 0 : i64, tpu.core_type = #tpu.core_type<tc>, window_params = [{transform_indices = @transform_0, window_bounds = array<i64: 1, 1, 256>}, {transform_indices = @transform_1, window_bounds = array<i64: 1, 256, 1280>}, {pipeline_mode = #tpu.pipeline_mode<synchronous>, transform_indices = @transform_2, window_bounds = array<i64: 8, 128>}, {pipeline_mode = #tpu.pipeline_mode<synchronous>, transform_indices = @transform_3, window_bounds = array<i64: 1, 128>}, {pipeline_mode = #tpu.pipeline_mode<synchronous>, transform_indices = @transform_4, window_bounds = array<i64: 1, 128>}, {pipeline_mode = #tpu.pipeline_mode<synchronous>, transform_indices = @transform_5, window_bounds = array<i64: 1, 128>}, {pipeline_mode = #tpu.pipeline_mode<synchronous>, transform_indices = @transform_6, window_bounds = array<i64: 1280, 128>}, {pipeline_mode = #tpu.pipeline_mode<synchronous>, transform_indices = @transform_7, window_bounds = array<i64: 1, 128>}, {pipeline_mode = #tpu.pipeline_mode<synchronous>, transform_indices = @transform_8, window_bounds = array<i64: 1, 128>}, {pipeline_mode = #tpu.pipeline_mode<synchronous>, transform_indices = @transform_9, window_bounds = array<i64: 1, 128>}, {pipeline_mode = #tpu.pipeline_mode<synchronous>, transform_indices = @transform_10, window_bounds = array<i64: 256, 128>}, {pipeline_mode = #tpu.pipeline_mode<synchronous>, transform_indices = @transform_11, window_bounds = array<i64: 1, 128>}, {pipeline_mode = #tpu.pipeline_mode<synchronous>, transform_indices = @transform_12, window_bounds = array<i64: 1, 128>}, {pipeline_mode = #tpu.pipeline_mode<synchronous>, transform_indices = @transform_13, window_bounds = array<i64: 1, 128>}, {transform_indices = @transform_14, window_bounds = array<i64: 1, 256, 128>}]} {
    %get3A = arith.constant 0 : index
    %get3A_0 = arith.constant 0 : index
    %get3A_1 = arith.constant 0 : index
    %get3A_2 = vector.load %arg1[%get3A, %get3A_0, %get3A_1] : memref<1x1x256xi32, #tpu.memory_space<vmem>>, vector<1x1x256xi32>
    %get3A_3 = vector.shape_cast %get3A_2 : vector<1x1x256xi32> to vector<1x256xi32>
    %convert_element_type3A = arith.sitofp %get3A_3 : vector<1x256xi32> to vector<1x256xf32>
    %reshape3A = vector.shape_cast %convert_element_type3A : vector<1x256xf32> to vector<256x1xf32>
    %mul3A = arith.constant 1.000000e-01 : f32
    %mul3A_4 = vector.broadcast %mul3A : f32 to vector<256x1xf32>
    %mul3A_5 = arith.mulf %reshape3A, %mul3A_4 : vector<256x1xf32>
    %get3A_6 = arith.constant 0 : index
    %get3A_7 = arith.constant 0 : index
    %get3A_8 = vector.load %arg3[%get3A_6, %get3A_7] : memref<8x128xf32, #tpu.memory_space<vmem>>, vector<8x128xf32>
    %reduce_sum3A = arith.constant dense<0.000000e+00> : vector<128xf32>
    %reduce_sum3A_9 = vector.multi_reduction <add>, %get3A_8, %reduce_sum3A [0] : vector<8x128xf32> to vector<128xf32>
    %broadcast_in_dim3A = vector.shape_cast %reduce_sum3A_9 : vector<128xf32> to vector<1x128xf32>
    %mul3A_10 = vector.broadcast %mul3A_5 : vector<256x1xf32> to vector<256x128xf32>
    %mul3A_11 = vector.broadcast %broadcast_in_dim3A : vector<1x128xf32> to vector<256x128xf32>
    %mul3A_12 = arith.mulf %mul3A_10, %mul3A_11 : vector<256x128xf32>
    %get3A_13 = arith.constant 0 : index
    %get3A_14 = arith.constant 0 : index
    %get3A_15 = vector.load %arg4[%get3A_13, %get3A_14] : memref<1x128xf32, #tpu.memory_space<vmem>>, vector<1x128xf32>
    %add3A = vector.broadcast %get3A_15 : vector<1x128xf32> to vector<256x128xf32>
    %add3A_16 = arith.addf %mul3A_12, %add3A : vector<256x128xf32>
    %get3A_17 = arith.constant 0 : index
    %get3A_18 = arith.constant 0 : index
    %get3A_19 = vector.load %arg5[%get3A_17, %get3A_18] : memref<1x128xf32, #tpu.memory_space<vmem>>, vector<1x128xf32>
    %get3A_20 = arith.constant 0 : index
    %get3A_21 = arith.constant 0 : index
    %get3A_22 = vector.load %arg6[%get3A_20, %get3A_21] : memref<1x128xf32, #tpu.memory_space<vmem>>, vector<1x128xf32>
    %reduce_sum3A_23 = arith.constant dense<0.000000e+00> : vector<256xf32>
    %reduce_sum3A_24 = vector.multi_reduction <add>, %add3A_16, %reduce_sum3A_23 [1] : vector<256x128xf32> to vector<256xf32>
    %broadcast_in_dim3A_25 = vector.shape_cast %reduce_sum3A_24 : vector<256xf32> to vector<256x1xf32>
    %div3A = arith.constant 1.280000e+02 : f32
    %div3A_26 = vector.broadcast %div3A : f32 to vector<256x1xf32>
    %div3A_27 = arith.divf %broadcast_in_dim3A_25, %div3A_26 : vector<256x1xf32>
    %sub3A = vector.broadcast %div3A_27 : vector<256x1xf32> to vector<256x128xf32>
    %sub3A_28 = arith.subf %add3A_16, %sub3A : vector<256x128xf32>
    %mul3A_29 = arith.mulf %sub3A_28, %sub3A_28 : vector<256x128xf32>
    %reduce_sum3A_30 = arith.constant dense<0.000000e+00> : vector<256xf32>
    %reduce_sum3A_31 = vector.multi_reduction <add>, %mul3A_29, %reduce_sum3A_30 [1] : vector<256x128xf32> to vector<256xf32>
    %broadcast_in_dim3A_32 = vector.shape_cast %reduce_sum3A_31 : vector<256xf32> to vector<256x1xf32>
    %div3A_33 = arith.constant 1.280000e+02 : f32
    %div3A_34 = vector.broadcast %div3A_33 : f32 to vector<256x1xf32>
    %div3A_35 = arith.divf %broadcast_in_dim3A_32, %div3A_34 : vector<256x1xf32>
    %add3A_36 = arith.constant 9.99999974E-6 : f32
    %add3A_37 = vector.broadcast %add3A_36 : f32 to vector<256x1xf32>
    %add3A_38 = arith.addf %div3A_35, %add3A_37 : vector<256x1xf32>
    %sqrt3A = math.sqrt %add3A_38 : vector<256x1xf32>
    %div3A_39 = vector.broadcast %sqrt3A : vector<256x1xf32> to vector<256x128xf32>
    %div3A_40 = arith.divf %sub3A_28, %div3A_39 : vector<256x128xf32>
    %mul3A_41 = vector.broadcast %get3A_19 : vector<1x128xf32> to vector<256x128xf32>
    %mul3A_42 = arith.mulf %div3A_40, %mul3A_41 : vector<256x128xf32>
    %add3A_43 = vector.broadcast %get3A_22 : vector<1x128xf32> to vector<256x128xf32>
    %add3A_44 = arith.addf %mul3A_42, %add3A_43 : vector<256x128xf32>
    %get3A_45 = arith.constant 0 : index
    %get3A_46 = arith.constant 0 : index
    %get3A_47 = arith.constant 0 : index
    %get3A_48 = vector.load %arg2[%get3A_45, %get3A_46, %get3A_47] : memref<1x256x1280xf32, #tpu.memory_space<vmem>>, vector<1x256x1280xf32>
    %get3A_49 = vector.shape_cast %get3A_48 : vector<1x256x1280xf32> to vector<256x1280xf32>
    %get3A_50 = arith.constant 0 : index
    %get3A_51 = arith.constant 0 : index
    %get3A_52 = vector.load %arg7[%get3A_50, %get3A_51] : memref<1280x128xf32, #tpu.memory_space<vmem>>, vector<1280x128xf32>
    %dot_general3A = arith.constant dense<0.000000e+00> : vector<256x128xf32>
    %dot_general3A_53 = tpu.matmul %get3A_49, %get3A_52, %dot_general3A {dimension_numbers = #tpu.dot_dimension_numbers<[1], [0], [0], [1], [0, 0, 1, 1], [], []>, transpose_lhs_hint = false} : vector<256x1280xf32>, vector<1280x128xf32>, vector<256x128xf32> -> vector<256x128xf32>
    %get3A_54 = arith.constant 0 : index
    %get3A_55 = arith.constant 0 : index
    %get3A_56 = vector.load %arg8[%get3A_54, %get3A_55] : memref<1x128xf32, #tpu.memory_space<vmem>>, vector<1x128xf32>
    %add3A_57 = vector.broadcast %get3A_56 : vector<1x128xf32> to vector<256x128xf32>
    %add3A_58 = arith.addf %dot_general3A_53, %add3A_57 : vector<256x128xf32>
    %get3A_59 = arith.constant 0 : index
    %get3A_60 = arith.constant 0 : index
    %get3A_61 = vector.load %arg9[%get3A_59, %get3A_60] : memref<1x128xf32, #tpu.memory_space<vmem>>, vector<1x128xf32>
    %get3A_62 = arith.constant 0 : index
    %get3A_63 = arith.constant 0 : index
    %get3A_64 = vector.load %arg10[%get3A_62, %get3A_63] : memref<1x128xf32, #tpu.memory_space<vmem>>, vector<1x128xf32>
    %reduce_sum3A_65 = arith.constant dense<0.000000e+00> : vector<256xf32>
    %reduce_sum3A_66 = vector.multi_reduction <add>, %add3A_58, %reduce_sum3A_65 [1] : vector<256x128xf32> to vector<256xf32>
    %broadcast_in_dim3A_67 = vector.shape_cast %reduce_sum3A_66 : vector<256xf32> to vector<256x1xf32>
    %div3A_68 = arith.constant 1.280000e+02 : f32
    %div3A_69 = vector.broadcast %div3A_68 : f32 to vector<256x1xf32>
    %div3A_70 = arith.divf %broadcast_in_dim3A_67, %div3A_69 : vector<256x1xf32>
    %sub3A_71 = vector.broadcast %div3A_70 : vector<256x1xf32> to vector<256x128xf32>
    %sub3A_72 = arith.subf %add3A_58, %sub3A_71 : vector<256x128xf32>
    %mul3A_73 = arith.mulf %sub3A_72, %sub3A_72 : vector<256x128xf32>
    %reduce_sum3A_74 = arith.constant dense<0.000000e+00> : vector<256xf32>
    %reduce_sum3A_75 = vector.multi_reduction <add>, %mul3A_73, %reduce_sum3A_74 [1] : vector<256x128xf32> to vector<256xf32>
    %broadcast_in_dim3A_76 = vector.shape_cast %reduce_sum3A_75 : vector<256xf32> to vector<256x1xf32>
    %div3A_77 = arith.constant 1.280000e+02 : f32
    %div3A_78 = vector.broadcast %div3A_77 : f32 to vector<256x1xf32>
    %div3A_79 = arith.divf %broadcast_in_dim3A_76, %div3A_78 : vector<256x1xf32>
    %add3A_80 = arith.constant 9.99999974E-6 : f32
    %add3A_81 = vector.broadcast %add3A_80 : f32 to vector<256x1xf32>
    %add3A_82 = arith.addf %div3A_79, %add3A_81 : vector<256x1xf32>
    %sqrt3A_83 = math.sqrt %add3A_82 : vector<256x1xf32>
    %div3A_84 = vector.broadcast %sqrt3A_83 : vector<256x1xf32> to vector<256x128xf32>
    %div3A_85 = arith.divf %sub3A_72, %div3A_84 : vector<256x128xf32>
    %mul3A_86 = vector.broadcast %get3A_61 : vector<1x128xf32> to vector<256x128xf32>
    %mul3A_87 = arith.mulf %div3A_85, %mul3A_86 : vector<256x128xf32>
    %add3A_88 = vector.broadcast %get3A_64 : vector<1x128xf32> to vector<256x128xf32>
    %add3A_89 = arith.addf %mul3A_87, %add3A_88 : vector<256x128xf32>
    %get3A_90 = arith.constant 0 : index
    %get3A_91 = arith.constant 0 : index
    %get3A_92 = vector.load %arg11[%get3A_90, %get3A_91] : memref<256x128xf32, #tpu.memory_space<vmem>>, vector<128x128xf32>
    %get3A_93 = arith.constant 128 : index
    %get3A_94 = arith.constant 0 : index
    %get3A_95 = vector.load %arg11[%get3A_93, %get3A_94] : memref<256x128xf32, #tpu.memory_space<vmem>>, vector<128x128xf32>
    %dot_general3A_96 = arith.constant dense<0.000000e+00> : vector<256x128xf32>
    %dot_general3A_97 = tpu.matmul %add3A_44, %get3A_92, %dot_general3A_96 {dimension_numbers = #tpu.dot_dimension_numbers<[1], [0], [0], [1], [0, 0, 1, 1], [], []>, transpose_lhs_hint = false} : vector<256x128xf32>, vector<128x128xf32>, vector<256x128xf32> -> vector<256x128xf32>
    %dot_general3A_98 = arith.constant dense<0.000000e+00> : vector<256x128xf32>
    %dot_general3A_99 = tpu.matmul %add3A_89, %get3A_95, %dot_general3A_98 {dimension_numbers = #tpu.dot_dimension_numbers<[1], [0], [0], [1], [0, 0, 1, 1], [], []>, transpose_lhs_hint = false} : vector<256x128xf32>, vector<128x128xf32>, vector<256x128xf32> -> vector<256x128xf32>
    %add3A_100 = arith.addf %dot_general3A_97, %dot_general3A_99 : vector<256x128xf32>
    %get3A_101 = arith.constant 0 : index
    %get3A_102 = arith.constant 0 : index
    %get3A_103 = vector.load %arg12[%get3A_101, %get3A_102] : memref<1x128xf32, #tpu.memory_space<vmem>>, vector<1x128xf32>
    %add3A_104 = vector.broadcast %get3A_103 : vector<1x128xf32> to vector<256x128xf32>
    %add3A_105 = arith.addf %add3A_100, %add3A_104 : vector<256x128xf32>
    %get3A_106 = arith.constant 0 : index
    %get3A_107 = arith.constant 0 : index
    %get3A_108 = vector.load %arg13[%get3A_106, %get3A_107] : memref<1x128xf32, #tpu.memory_space<vmem>>, vector<1x128xf32>
    %get3A_109 = arith.constant 0 : index
    %get3A_110 = arith.constant 0 : index
    %get3A_111 = vector.load %arg14[%get3A_109, %get3A_110] : memref<1x128xf32, #tpu.memory_space<vmem>>, vector<1x128xf32>
    %reduce_sum3A_112 = arith.constant dense<0.000000e+00> : vector<256xf32>
    %reduce_sum3A_113 = vector.multi_reduction <add>, %add3A_105, %reduce_sum3A_112 [1] : vector<256x128xf32> to vector<256xf32>
    %broadcast_in_dim3A_114 = vector.shape_cast %reduce_sum3A_113 : vector<256xf32> to vector<256x1xf32>
    %div3A_115 = arith.constant 1.280000e+02 : f32
    %div3A_116 = vector.broadcast %div3A_115 : f32 to vector<256x1xf32>
    %div3A_117 = arith.divf %broadcast_in_dim3A_114, %div3A_116 : vector<256x1xf32>
    %sub3A_118 = vector.broadcast %div3A_117 : vector<256x1xf32> to vector<256x128xf32>
    %sub3A_119 = arith.subf %add3A_105, %sub3A_118 : vector<256x128xf32>
    %mul3A_120 = arith.mulf %sub3A_119, %sub3A_119 : vector<256x128xf32>
    %reduce_sum3A_121 = arith.constant dense<0.000000e+00> : vector<256xf32>
    %reduce_sum3A_122 = vector.multi_reduction <add>, %mul3A_120, %reduce_sum3A_121 [1] : vector<256x128xf32> to vector<256xf32>
    %broadcast_in_dim3A_123 = vector.shape_cast %reduce_sum3A_122 : vector<256xf32> to vector<256x1xf32>
    %div3A_124 = arith.constant 1.280000e+02 : f32
    %div3A_125 = vector.broadcast %div3A_124 : f32 to vector<256x1xf32>
    %div3A_126 = arith.divf %broadcast_in_dim3A_123, %div3A_125 : vector<256x1xf32>
    %add3A_127 = arith.constant 9.99999974E-6 : f32
    %add3A_128 = vector.broadcast %add3A_127 : f32 to vector<256x1xf32>
    %add3A_129 = arith.addf %div3A_126, %add3A_128 : vector<256x1xf32>
    %sqrt3A_130 = math.sqrt %add3A_129 : vector<256x1xf32>
    %div3A_131 = vector.broadcast %sqrt3A_130 : vector<256x1xf32> to vector<256x128xf32>
    %div3A_132 = arith.divf %sub3A_119, %div3A_131 : vector<256x128xf32>
    %mul3A_133 = vector.broadcast %get3A_108 : vector<1x128xf32> to vector<256x128xf32>
    %mul3A_134 = arith.mulf %div3A_132, %mul3A_133 : vector<256x128xf32>
    %add3A_135 = vector.broadcast %get3A_111 : vector<1x128xf32> to vector<256x128xf32>
    %add3A_136 = arith.addf %mul3A_134, %add3A_135 : vector<256x128xf32>
    %swap3A = arith.constant 0 : index
    %swap3A_137 = arith.constant 0 : index
    %swap3A_138 = arith.constant 0 : index
    %swap3A_139 = vector.load %arg15[%swap3A, %swap3A_137, %swap3A_138] : memref<1x256x128xf32, #tpu.memory_space<vmem>>, vector<1x256x128xf32>
    %swap3A_140 = vector.shape_cast %swap3A_139 : vector<1x256x128xf32> to vector<256x128xf32>
    %swap3A_141 = vector.shape_cast %add3A_136 : vector<256x128xf32> to vector<1x256x128xf32>
    tpu.vector_store %arg15[%swap3A, %swap3A_137, %swap3A_138], %swap3A_141 {strides = array<i32>} : memref<1x256x128xf32, #tpu.memory_space<vmem>>, vector<1x256x128xf32>,
    return
  }
  func.func @transform_0(%arg0: i32) -> (i32, i32, i32) {
    %c0_i32 = arith.constant 0 : i32
    %c0_i32_0 = arith.constant 0 : i32
    %c0_i32_1 = arith.constant 0 : i32
    return %arg0, %c0_i32, %c0_i32_0 : i32, i32, i32
  }
  func.func @transform_1(%arg0: i32) -> (i32, i32, i32) {
    %c0_i32 = arith.constant 0 : i32
    %c0_i32_0 = arith.constant 0 : i32
    %c0_i32_1 = arith.constant 0 : i32
    return %arg0, %c0_i32, %c0_i32_0 : i32, i32, i32
  }
  func.func @transform_2(%arg0: i32) -> (i32, i32) {
    %c0_i32 = arith.constant 0 : i32
    %c0_i32_0 = arith.constant 0 : i32
    %c0_i32_1 = arith.constant 0 : i32
    return %c0_i32, %c0_i32_0 : i32, i32
  }
  func.func @transform_3(%arg0: i32) -> (i32, i32) {
    %c0_i32 = arith.constant 0 : i32
    %c0_i32_0 = arith.constant 0 : i32
    %c0_i32_1 = arith.constant 0 : i32
    return %c0_i32, %c0_i32_0 : i32, i32
  }
  func.func @transform_4(%arg0: i32) -> (i32, i32) {
    %c0_i32 = arith.constant 0 : i32
    %c0_i32_0 = arith.constant 0 : i32
    %c0_i32_1 = arith.constant 0 : i32
    return %c0_i32, %c0_i32_0 : i32, i32
  }
  func.func @transform_5(%arg0: i32) -> (i32, i32) {
    %c0_i32 = arith.constant 0 : i32
    %c0_i32_0 = arith.constant 0 : i32
    %c0_i32_1 = arith.constant 0 : i32
    return %c0_i32, %c0_i32_0 : i32, i32
  }
  func.func @transform_6(%arg0: i32) -> (i32, i32) {
    %c0_i32 = arith.constant 0 : i32
    %c0_i32_0 = arith.constant 0 : i32
    %c0_i32_1 = arith.constant 0 : i32
    return %c0_i32, %c0_i32_0 : i32, i32
  }
  func.func @transform_7(%arg0: i32) -> (i32, i32) {
    %c0_i32 = arith.constant 0 : i32
    %c0_i32_0 = arith.constant 0 : i32
    %c0_i32_1 = arith.constant 0 : i32
    return %c0_i32, %c0_i32_0 : i32, i32
  }
  func.func @transform_8(%arg0: i32) -> (i32, i32) {
    %c0_i32 = arith.constant 0 : i32
    %c0_i32_0 = arith.constant 0 : i32
    %c0_i32_1 = arith.constant 0 : i32
    return %c0_i32, %c0_i32_0 : i32, i32
  }
  func.func @transform_9(%arg0: i32) -> (i32, i32) {
    %c0_i32 = arith.constant 0 : i32
    %c0_i32_0 = arith.constant 0 : i32
    %c0_i32_1 = arith.constant 0 : i32
    return %c0_i32, %c0_i32_0 : i32, i32
  }
  func.func @transform_10(%arg0: i32) -> (i32, i32) {
    %c0_i32 = arith.constant 0 : i32
    %c0_i32_0 = arith.constant 0 : i32
    %c0_i32_1 = arith.constant 0 : i32
    return %c0_i32, %c0_i32_0 : i32, i32
  }
  func.func @transform_11(%arg0: i32) -> (i32, i32) {
    %c0_i32 = arith.constant 0 : i32
    %c0_i32_0 = arith.constant 0 : i32
    %c0_i32_1 = arith.constant 0 : i32
    return %c0_i32, %c0_i32_0 : i32, i32
  }
  func.func @transform_12(%arg0: i32) -> (i32, i32) {
    %c0_i32 = arith.constant 0 : i32
    %c0_i32_0 = arith.constant 0 : i32
    %c0_i32_1 = arith.constant 0 : i32
    return %c0_i32, %c0_i32_0 : i32, i32
  }
  func.func @transform_13(%arg0: i32) -> (i32, i32) {
    %c0_i32 = arith.constant 0 : i32
    %c0_i32_0 = arith.constant 0 : i32
    %c0_i32_1 = arith.constant 0 : i32
    return %c0_i32, %c0_i32_0 : i32, i32
  }
  func.func @transform_14(%arg0: i32) -> (i32, i32, i32) {
    %c0_i32 = arith.constant 0 : i32
    %c0_i32_0 = arith.constant 0 : i32
    %c0_i32_1 = arith.constant 0 : i32
    return %arg0, %c0_i32, %c0_i32_0 : i32, i32, i32
  }
}

module attributes {stable_mosaic.version = 14 : i64} {
  func.func @_edge_body(%arg0: i32, %arg1: memref<3840x16xf32, #tpu.memory_space<vmem>>, %arg2: memref<3840x16xf32, #tpu.memory_space<vmem>>, %arg3: memref<3840x1xi32, #tpu.memory_space<vmem>>, %arg4: memref<66x16xf32, #tpu.memory_space<vmem>>, %arg5: memref<1x16xf32, #tpu.memory_space<vmem>>, %arg6: memref<416x128xf32, #tpu.memory_space<vmem>>, %arg7: memref<1x128xf32, #tpu.memory_space<vmem>>, %arg8: memref<1x128xf32, #tpu.memory_space<vmem>>, %arg9: memref<16x75xf32, #tpu.memory_space<vmem>>, %arg10: memref<16x75xf32, #tpu.memory_space<vmem>>, %arg11: memref<75x25xf32, #tpu.memory_space<vmem>>, %arg12: memref<25x400xf32, #tpu.memory_space<vmem>>, %arg13: memref<1x400xf32, #tpu.memory_space<vmem>>, %arg14: memref<1x3840x128xf32, #tpu.memory_space<vmem>>) attributes {dimension_semantics = [#tpu.dimension_semantics<parallel>], iteration_bounds = array<i64: 8>, scalar_prefetch = 0 : i64, scratch_operands = 0 : i64, tpu.core_type = #tpu.core_type<tc>, window_params = [{transform_indices = @transform_0, window_bounds = array<i64: 3840, 16>}, {transform_indices = @transform_1, window_bounds = array<i64: 3840, 16>}, {transform_indices = @transform_2, window_bounds = array<i64: 3840, 1>}, {pipeline_mode = #tpu.pipeline_mode<synchronous>, transform_indices = @transform_3, window_bounds = array<i64: 66, 16>}, {pipeline_mode = #tpu.pipeline_mode<synchronous>, transform_indices = @transform_4, window_bounds = array<i64: 1, 16>}, {pipeline_mode = #tpu.pipeline_mode<synchronous>, transform_indices = @transform_5, window_bounds = array<i64: 416, 128>}, {pipeline_mode = #tpu.pipeline_mode<synchronous>, transform_indices = @transform_6, window_bounds = array<i64: 1, 128>}, {pipeline_mode = #tpu.pipeline_mode<synchronous>, transform_indices = @transform_7, window_bounds = array<i64: 1, 128>}, {pipeline_mode = #tpu.pipeline_mode<synchronous>, transform_indices = @transform_8, window_bounds = array<i64: 16, 75>}, {pipeline_mode = #tpu.pipeline_mode<synchronous>, transform_indices = @transform_9, window_bounds = array<i64: 16, 75>}, {pipeline_mode = #tpu.pipeline_mode<synchronous>, transform_indices = @transform_10, window_bounds = array<i64: 75, 25>}, {pipeline_mode = #tpu.pipeline_mode<synchronous>, transform_indices = @transform_11, window_bounds = array<i64: 25, 400>}, {pipeline_mode = #tpu.pipeline_mode<synchronous>, transform_indices = @transform_12, window_bounds = array<i64: 1, 400>}, {transform_indices = @transform_13, window_bounds = array<i64: 1, 3840, 128>}]} {
    %get3A = arith.constant 0 : index
    %get3A_0 = arith.constant 0 : index
    %get3A_1 = vector.load %arg1[%get3A, %get3A_0] : memref<3840x16xf32, #tpu.memory_space<vmem>>, vector<3840x16xf32>
    %get3A_2 = arith.constant 0 : index
    %get3A_3 = arith.constant 0 : index
    %get3A_4 = vector.load %arg2[%get3A_2, %get3A_3] : memref<3840x16xf32, #tpu.memory_space<vmem>>, vector<3840x16xf32>
    %get3A_5 = arith.constant 0 : index
    %get3A_6 = arith.constant 0 : index
    %get3A_7 = vector.load %arg3[%get3A_5, %get3A_6] : memref<3840x1xi32, #tpu.memory_space<vmem>>, vector<3840x1xi32>
    %iota3A = tpu.iota {dimensions = array<i32: 1>} : vector<3840x66xi32>
    %eq3A = vector.broadcast %get3A_7 : vector<3840x1xi32> to vector<3840x66xi32>
    %eq3A_8 = arith.cmpi eq, %eq3A, %iota3A : vector<3840x66xi32>
    %convert_element_type3A = arith.extui %eq3A_8 : vector<3840x66xi1> to vector<3840x66xi32>
    %convert_element_type3A_9 = arith.sitofp %convert_element_type3A : vector<3840x66xi32> to vector<3840x66xf32>
    %get3A_10 = arith.constant 0 : index
    %get3A_11 = arith.constant 0 : index
    %get3A_12 = vector.load %arg6[%get3A_10, %get3A_11] : memref<416x128xf32, #tpu.memory_space<vmem>>, vector<16x128xf32>
    %get3A_13 = arith.constant 0 : index
    %get3A_14 = arith.constant 0 : index
    %get3A_15 = vector.load %arg4[%get3A_13, %get3A_14] : memref<66x16xf32, #tpu.memory_space<vmem>>, vector<66x16xf32>
    %dot_general3A = arith.constant dense<0.000000e+00> : vector<66x128xf32>
    %dot_general3A_16 = tpu.matmul %get3A_15, %get3A_12, %dot_general3A {dimension_numbers = #tpu.dot_dimension_numbers<[1], [0], [0], [1], [0, 0, 1, 1], [], []>, transpose_lhs_hint = false} : vector<66x16xf32>, vector<16x128xf32>, vector<66x128xf32> -> vector<66x128xf32>
    %dot_general3A_17 = arith.constant dense<0.000000e+00> : vector<3840x128xf32>
    %dot_general3A_18 = tpu.matmul %convert_element_type3A_9, %dot_general3A_16, %dot_general3A_17 {dimension_numbers = #tpu.dot_dimension_numbers<[1], [0], [0], [1], [0, 0, 1, 1], [], []>, transpose_lhs_hint = false} : vector<3840x66xf32>, vector<66x128xf32>, vector<3840x128xf32> -> vector<3840x128xf32>
    %get3A_19 = arith.constant 0 : index
    %get3A_20 = arith.constant 0 : index
    %get3A_21 = vector.load %arg5[%get3A_19, %get3A_20] : memref<1x16xf32, #tpu.memory_space<vmem>>, vector<1x16xf32>
    %dot_general3A_22 = arith.constant dense<0.000000e+00> : vector<1x128xf32>
    %dot_general3A_23 = tpu.matmul %get3A_21, %get3A_12, %dot_general3A_22 {dimension_numbers = #tpu.dot_dimension_numbers<[1], [0], [0], [1], [0, 0, 1, 1], [], []>, transpose_lhs_hint = false} : vector<1x16xf32>, vector<16x128xf32>, vector<1x128xf32> -> vector<1x128xf32>
    %add3A = vector.broadcast %dot_general3A_23 : vector<1x128xf32> to vector<3840x128xf32>
    %add3A_24 = arith.addf %dot_general3A_18, %add3A : vector<3840x128xf32>
    %get3A_25 = arith.constant 0 : index
    %get3A_26 = arith.constant 0 : index
    %get3A_27 = vector.load %arg9[%get3A_25, %get3A_26] : memref<16x75xf32, #tpu.memory_space<vmem>>, vector<16x75xf32>
    %dot_general3A_28 = arith.constant dense<0.000000e+00> : vector<3840x75xf32>
    %dot_general3A_29 = tpu.matmul %get3A_1, %get3A_27, %dot_general3A_28 {dimension_numbers = #tpu.dot_dimension_numbers<[1], [0], [0], [1], [0, 0, 1, 1], [], []>, precision = #tpu.contract_precision<fp32>, transpose_lhs_hint = false} : vector<3840x16xf32>, vector<16x75xf32>, vector<3840x75xf32> -> vector<3840x75xf32>
    %get3A_30 = arith.constant 0 : index
    %get3A_31 = arith.constant 0 : index
    %get3A_32 = vector.load %arg10[%get3A_30, %get3A_31] : memref<16x75xf32, #tpu.memory_space<vmem>>, vector<16x75xf32>
    %dot_general3A_33 = arith.constant dense<0.000000e+00> : vector<3840x75xf32>
    %dot_general3A_34 = tpu.matmul %get3A_4, %get3A_32, %dot_general3A_33 {dimension_numbers = #tpu.dot_dimension_numbers<[1], [0], [0], [1], [0, 0, 1, 1], [], []>, precision = #tpu.contract_precision<fp32>, transpose_lhs_hint = false} : vector<3840x16xf32>, vector<16x75xf32>, vector<3840x75xf32> -> vector<3840x75xf32>
    %sub3A = arith.subf %dot_general3A_29, %dot_general3A_34 : vector<3840x75xf32>
    %mul3A = arith.mulf %sub3A, %sub3A : vector<3840x75xf32>
    %get3A_35 = arith.constant 0 : index
    %get3A_36 = arith.constant 0 : index
    %get3A_37 = vector.load %arg11[%get3A_35, %get3A_36] : memref<75x25xf32, #tpu.memory_space<vmem>>, vector<75x25xf32>
    %dot_general3A_38 = arith.constant dense<0.000000e+00> : vector<3840x25xf32>
    %dot_general3A_39 = tpu.matmul %mul3A, %get3A_37, %dot_general3A_38 {dimension_numbers = #tpu.dot_dimension_numbers<[1], [0], [0], [1], [0, 0, 1, 1], [], []>, precision = #tpu.contract_precision<fp32>, transpose_lhs_hint = false} : vector<3840x75xf32>, vector<75x25xf32>, vector<3840x25xf32> -> vector<3840x25xf32>
    %add3A_40 = arith.constant 9.99999997E-7 : f32
    %add3A_41 = vector.broadcast %add3A_40 : f32 to vector<3840x25xf32>
    %add3A_42 = arith.addf %dot_general3A_39, %add3A_41 : vector<3840x25xf32>
    %sqrt3A = math.sqrt %add3A_42 : vector<3840x25xf32>
    %get3A_43 = arith.constant 0 : index
    %get3A_44 = arith.constant 0 : index
    %get3A_45 = vector.load %arg12[%get3A_43, %get3A_44] : memref<25x400xf32, #tpu.memory_space<vmem>>, vector<25x400xf32>
    %dot_general3A_46 = arith.constant dense<0.000000e+00> : vector<3840x400xf32>
    %dot_general3A_47 = tpu.matmul %sqrt3A, %get3A_45, %dot_general3A_46 {dimension_numbers = #tpu.dot_dimension_numbers<[1], [0], [0], [1], [0, 0, 1, 1], [], []>, precision = #tpu.contract_precision<fp32>, transpose_lhs_hint = false} : vector<3840x25xf32>, vector<25x400xf32>, vector<3840x400xf32> -> vector<3840x400xf32>
    %get3A_48 = arith.constant 0 : index
    %get3A_49 = arith.constant 0 : index
    %get3A_50 = vector.load %arg13[%get3A_48, %get3A_49] : memref<1x400xf32, #tpu.memory_space<vmem>>, vector<1x400xf32>
    %sub3A_51 = vector.broadcast %get3A_50 : vector<1x400xf32> to vector<3840x400xf32>
    %sub3A_52 = arith.subf %dot_general3A_47, %sub3A_51 : vector<3840x400xf32>
    %div3A = arith.constant 1.250000e+00 : f32
    %div3A_53 = vector.broadcast %div3A : f32 to vector<3840x400xf32>
    %div3A_54 = arith.divf %sub3A_52, %div3A_53 : vector<3840x400xf32>
    %mul3A_55 = arith.mulf %div3A_54, %div3A_54 : vector<3840x400xf32>
    %neg3A = arith.constant 0.000000e+00 : f32
    %neg3A_56 = vector.broadcast %neg3A : f32 to vector<3840x400xf32>
    %neg3A_57 = arith.subf %neg3A_56, %mul3A_55 : vector<3840x400xf32>
    %exp3A = math.exp %neg3A_57 : vector<3840x400xf32>
    %get3A_58 = arith.constant 16 : index
    %get3A_59 = arith.constant 0 : index
    %get3A_60 = vector.load %arg6[%get3A_58, %get3A_59] : memref<416x128xf32, #tpu.memory_space<vmem>>, vector<400x128xf32>
    %dot_general3A_61 = arith.constant dense<0.000000e+00> : vector<3840x128xf32>
    %dot_general3A_62 = tpu.matmul %exp3A, %get3A_60, %dot_general3A_61 {dimension_numbers = #tpu.dot_dimension_numbers<[1], [0], [0], [1], [0, 0, 1, 1], [], []>, transpose_lhs_hint = false} : vector<3840x400xf32>, vector<400x128xf32>, vector<3840x128xf32> -> vector<3840x128xf32>
    %add3A_63 = arith.addf %add3A_24, %dot_general3A_62 : vector<3840x128xf32>
    %reduce_sum3A = arith.constant dense<0.000000e+00> : vector<3840xf32>
    %reduce_sum3A_64 = vector.multi_reduction <add>, %add3A_63, %reduce_sum3A [1] : vector<3840x128xf32> to vector<3840xf32>
    %broadcast_in_dim3A = vector.shape_cast %reduce_sum3A_64 : vector<3840xf32> to vector<3840x1xf32>
    %div3A_65 = arith.constant 1.280000e+02 : f32
    %div3A_66 = vector.broadcast %div3A_65 : f32 to vector<3840x1xf32>
    %div3A_67 = arith.divf %broadcast_in_dim3A, %div3A_66 : vector<3840x1xf32>
    %sub3A_68 = vector.broadcast %div3A_67 : vector<3840x1xf32> to vector<3840x128xf32>
    %sub3A_69 = arith.subf %add3A_63, %sub3A_68 : vector<3840x128xf32>
    %mul3A_70 = arith.mulf %sub3A_69, %sub3A_69 : vector<3840x128xf32>
    %reduce_sum3A_71 = arith.constant dense<0.000000e+00> : vector<3840xf32>
    %reduce_sum3A_72 = vector.multi_reduction <add>, %mul3A_70, %reduce_sum3A_71 [1] : vector<3840x128xf32> to vector<3840xf32>
    %broadcast_in_dim3A_73 = vector.shape_cast %reduce_sum3A_72 : vector<3840xf32> to vector<3840x1xf32>
    %div3A_74 = arith.constant 1.280000e+02 : f32
    %div3A_75 = vector.broadcast %div3A_74 : f32 to vector<3840x1xf32>
    %div3A_76 = arith.divf %broadcast_in_dim3A_73, %div3A_75 : vector<3840x1xf32>
    %add3A_77 = arith.constant 9.99999974E-6 : f32
    %add3A_78 = vector.broadcast %add3A_77 : f32 to vector<3840x1xf32>
    %add3A_79 = arith.addf %div3A_76, %add3A_78 : vector<3840x1xf32>
    %sqrt3A_80 = math.sqrt %add3A_79 : vector<3840x1xf32>
    %div3A_81 = vector.broadcast %sqrt3A_80 : vector<3840x1xf32> to vector<3840x128xf32>
    %div3A_82 = arith.divf %sub3A_69, %div3A_81 : vector<3840x128xf32>
    %get3A_83 = arith.constant 0 : index
    %get3A_84 = arith.constant 0 : index
    %get3A_85 = vector.load %arg7[%get3A_83, %get3A_84] : memref<1x128xf32, #tpu.memory_space<vmem>>, vector<1x128xf32>
    %mul3A_86 = vector.broadcast %get3A_85 : vector<1x128xf32> to vector<3840x128xf32>
    %mul3A_87 = arith.mulf %div3A_82, %mul3A_86 : vector<3840x128xf32>
    %get3A_88 = arith.constant 0 : index
    %get3A_89 = arith.constant 0 : index
    %get3A_90 = vector.load %arg8[%get3A_88, %get3A_89] : memref<1x128xf32, #tpu.memory_space<vmem>>, vector<1x128xf32>
    %add3A_91 = vector.broadcast %get3A_90 : vector<1x128xf32> to vector<3840x128xf32>
    %add3A_92 = arith.addf %mul3A_87, %add3A_91 : vector<3840x128xf32>
    %swap3A = arith.constant 0 : index
    %swap3A_93 = arith.constant 0 : index
    %swap3A_94 = arith.constant 0 : index
    %swap3A_95 = vector.load %arg14[%swap3A, %swap3A_93, %swap3A_94] : memref<1x3840x128xf32, #tpu.memory_space<vmem>>, vector<1x3840x128xf32>
    %swap3A_96 = vector.shape_cast %swap3A_95 : vector<1x3840x128xf32> to vector<3840x128xf32>
    %swap3A_97 = vector.shape_cast %add3A_92 : vector<3840x128xf32> to vector<1x3840x128xf32>
    tpu.vector_store %arg14[%swap3A, %swap3A_93, %swap3A_94], %swap3A_97 {strides = array<i32>} : memref<1x3840x128xf32, #tpu.memory_space<vmem>>, vector<1x3840x128xf32>,
    return
  }
  func.func @transform_0(%arg0: i32) -> (i32, i32) {
    %jit3A = arith.constant 4 : i32
    %div3A = arith.divsi %arg0, %jit3A : i32
    %sign3A = arith.constant 0 : i32
    %sign3A_0 = arith.cmpi sgt, %arg0, %sign3A : i32
    %sign3A_1 = arith.extui %sign3A_0 : i1 to i32
    %sign3A_2 = arith.constant 0 : i32
    %sign3A_3 = arith.cmpi slt, %arg0, %sign3A_2 : i32
    %sign3A_4 = arith.extui %sign3A_3 : i1 to i32
    %sign3A_5 = arith.subi %sign3A_1, %sign3A_4 : i32
    %sign3A_6 = arith.constant 0 : i32
    %sign3A_7 = arith.cmpi sgt, %jit3A, %sign3A_6 : i32
    %sign3A_8 = arith.extui %sign3A_7 : i1 to i32
    %sign3A_9 = arith.constant 0 : i32
    %sign3A_10 = arith.cmpi slt, %jit3A, %sign3A_9 : i32
    %sign3A_11 = arith.extui %sign3A_10 : i1 to i32
    %sign3A_12 = arith.subi %sign3A_8, %sign3A_11 : i32
    %ne3A = arith.cmpi ne, %sign3A_5, %sign3A_12 : i32
    %rem3A = arith.remsi %arg0, %jit3A : i32
    %ne3A_13 = arith.constant 0 : i32
    %ne3A_14 = arith.cmpi ne, %rem3A, %ne3A_13 : i32
    %and3A = arith.andi %ne3A, %ne3A_14 : i1
    %sub3A = arith.constant 1 : i32
    %sub3A_15 = arith.subi %div3A, %sub3A : i32
    %select_n3A = arith.select %and3A, %sub3A_15, %div3A : i32
    %mul3A = arith.constant 8 : i32
    %mul3A_16 = arith.muli %mul3A, %select_n3A : i32
    %add3A = arith.constant 4 : i32
    %add3A_17 = arith.addi %mul3A_16, %add3A : i32
    %jit3A_18 = arith.constant 4 : i32
    %eq3A = arith.constant 0 : i32
    %eq3A_19 = arith.cmpi eq, %jit3A_18, %eq3A : i32
    %jit3A_20 = arith.constant 1 : i32
    %select_n3A_21 = arith.select %eq3A_19, %jit3A_20, %jit3A_18 : i32
    %rem3A_22 = arith.remsi %arg0, %select_n3A_21 : i32
    %ne3A_23 = arith.constant 0 : i32
    %ne3A_24 = arith.cmpi ne, %rem3A_22, %ne3A_23 : i32
    %lt3A = arith.constant 0 : i32
    %lt3A_25 = arith.cmpi slt, %rem3A_22, %lt3A : i32
    %lt3A_26 = arith.constant 0 : i32
    %lt3A_27 = arith.cmpi slt, %select_n3A_21, %lt3A_26 : i32
    %ne3A_28 = arith.xori %lt3A_25, %lt3A_27 : i1
    %and3A_29 = arith.andi %ne3A_28, %ne3A_24 : i1
    %add3A_30 = arith.addi %rem3A_22, %select_n3A_21 : i32
    %select_n3A_31 = arith.select %and3A_29, %add3A_30, %rem3A_22 : i32
    %add3A_32 = arith.addi %add3A_17, %select_n3A_31 : i32
    %c0_i32 = arith.constant 0 : i32
    %c0_i32_33 = arith.constant 0 : i32
    return %add3A_32, %c0_i32 : i32, i32
  }
  func.func @transform_1(%arg0: i32) -> (i32, i32) {
    %jit3A = arith.constant 4 : i32
    %div3A = arith.divsi %arg0, %jit3A : i32
    %sign3A = arith.constant 0 : i32
    %sign3A_0 = arith.cmpi sgt, %arg0, %sign3A : i32
    %sign3A_1 = arith.extui %sign3A_0 : i1 to i32
    %sign3A_2 = arith.constant 0 : i32
    %sign3A_3 = arith.cmpi slt, %arg0, %sign3A_2 : i32
    %sign3A_4 = arith.extui %sign3A_3 : i1 to i32
    %sign3A_5 = arith.subi %sign3A_1, %sign3A_4 : i32
    %sign3A_6 = arith.constant 0 : i32
    %sign3A_7 = arith.cmpi sgt, %jit3A, %sign3A_6 : i32
    %sign3A_8 = arith.extui %sign3A_7 : i1 to i32
    %sign3A_9 = arith.constant 0 : i32
    %sign3A_10 = arith.cmpi slt, %jit3A, %sign3A_9 : i32
    %sign3A_11 = arith.extui %sign3A_10 : i1 to i32
    %sign3A_12 = arith.subi %sign3A_8, %sign3A_11 : i32
    %ne3A = arith.cmpi ne, %sign3A_5, %sign3A_12 : i32
    %rem3A = arith.remsi %arg0, %jit3A : i32
    %ne3A_13 = arith.constant 0 : i32
    %ne3A_14 = arith.cmpi ne, %rem3A, %ne3A_13 : i32
    %and3A = arith.andi %ne3A, %ne3A_14 : i1
    %sub3A = arith.constant 1 : i32
    %sub3A_15 = arith.subi %div3A, %sub3A : i32
    %select_n3A = arith.select %and3A, %sub3A_15, %div3A : i32
    %mul3A = arith.constant 8 : i32
    %mul3A_16 = arith.muli %mul3A, %select_n3A : i32
    %jit3A_17 = arith.constant 4 : i32
    %eq3A = arith.constant 0 : i32
    %eq3A_18 = arith.cmpi eq, %jit3A_17, %eq3A : i32
    %jit3A_19 = arith.constant 1 : i32
    %select_n3A_20 = arith.select %eq3A_18, %jit3A_19, %jit3A_17 : i32
    %rem3A_21 = arith.remsi %arg0, %select_n3A_20 : i32
    %ne3A_22 = arith.constant 0 : i32
    %ne3A_23 = arith.cmpi ne, %rem3A_21, %ne3A_22 : i32
    %lt3A = arith.constant 0 : i32
    %lt3A_24 = arith.cmpi slt, %rem3A_21, %lt3A : i32
    %lt3A_25 = arith.constant 0 : i32
    %lt3A_26 = arith.cmpi slt, %select_n3A_20, %lt3A_25 : i32
    %ne3A_27 = arith.xori %lt3A_24, %lt3A_26 : i1
    %and3A_28 = arith.andi %ne3A_27, %ne3A_23 : i1
    %add3A = arith.addi %rem3A_21, %select_n3A_20 : i32
    %select_n3A_29 = arith.select %and3A_28, %add3A, %rem3A_21 : i32
    %add3A_30 = arith.addi %mul3A_16, %select_n3A_29 : i32
    %c0_i32 = arith.constant 0 : i32
    %c0_i32_31 = arith.constant 0 : i32
    return %add3A_30, %c0_i32 : i32, i32
  }
  func.func @transform_2(%arg0: i32) -> (i32, i32) {
    %c0_i32 = arith.constant 0 : i32
    %c0_i32_0 = arith.constant 0 : i32
    return %arg0, %c0_i32 : i32, i32
  }
  func.func @transform_3(%arg0: i32) -> (i32, i32) {
    %c0_i32 = arith.constant 0 : i32
    %c0_i32_0 = arith.constant 0 : i32
    %c0_i32_1 = arith.constant 0 : i32
    return %c0_i32, %c0_i32_0 : i32, i32
  }
  func.func @transform_4(%arg0: i32) -> (i32, i32) {
    %c0_i32 = arith.constant 0 : i32
    %c0_i32_0 = arith.constant 0 : i32
    %c0_i32_1 = arith.constant 0 : i32
    return %c0_i32, %c0_i32_0 : i32, i32
  }
  func.func @transform_5(%arg0: i32) -> (i32, i32) {
    %c0_i32 = arith.constant 0 : i32
    %c0_i32_0 = arith.constant 0 : i32
    %c0_i32_1 = arith.constant 0 : i32
    return %c0_i32, %c0_i32_0 : i32, i32
  }
  func.func @transform_6(%arg0: i32) -> (i32, i32) {
    %c0_i32 = arith.constant 0 : i32
    %c0_i32_0 = arith.constant 0 : i32
    %c0_i32_1 = arith.constant 0 : i32
    return %c0_i32, %c0_i32_0 : i32, i32
  }
  func.func @transform_7(%arg0: i32) -> (i32, i32) {
    %c0_i32 = arith.constant 0 : i32
    %c0_i32_0 = arith.constant 0 : i32
    %c0_i32_1 = arith.constant 0 : i32
    return %c0_i32, %c0_i32_0 : i32, i32
  }
  func.func @transform_8(%arg0: i32) -> (i32, i32) {
    %c0_i32 = arith.constant 0 : i32
    %c0_i32_0 = arith.constant 0 : i32
    %c0_i32_1 = arith.constant 0 : i32
    return %c0_i32, %c0_i32_0 : i32, i32
  }
  func.func @transform_9(%arg0: i32) -> (i32, i32) {
    %c0_i32 = arith.constant 0 : i32
    %c0_i32_0 = arith.constant 0 : i32
    %c0_i32_1 = arith.constant 0 : i32
    return %c0_i32, %c0_i32_0 : i32, i32
  }
  func.func @transform_10(%arg0: i32) -> (i32, i32) {
    %c0_i32 = arith.constant 0 : i32
    %c0_i32_0 = arith.constant 0 : i32
    %c0_i32_1 = arith.constant 0 : i32
    return %c0_i32, %c0_i32_0 : i32, i32
  }
  func.func @transform_11(%arg0: i32) -> (i32, i32) {
    %c0_i32 = arith.constant 0 : i32
    %c0_i32_0 = arith.constant 0 : i32
    %c0_i32_1 = arith.constant 0 : i32
    return %c0_i32, %c0_i32_0 : i32, i32
  }
  func.func @transform_12(%arg0: i32) -> (i32, i32) {
    %c0_i32 = arith.constant 0 : i32
    %c0_i32_0 = arith.constant 0 : i32
    %c0_i32_1 = arith.constant 0 : i32
    return %c0_i32, %c0_i32_0 : i32, i32
  }
  func.func @transform_13(%arg0: i32) -> (i32, i32, i32) {
    %c0_i32 = arith.constant 0 : i32
    %c0_i32_0 = arith.constant 0 : i32
    %c0_i32_1 = arith.constant 0 : i32
    return %arg0, %c0_i32, %c0_i32_0 : i32, i32, i32
  }
}

</mosaic_0001>

<sc_bundles>
// kernel: kernel.6.cloned.1.call-start
scs
__scs_entry_jumppad:
0x0: {  	(pc) =	sbr.rel $0x88, $3  }
0x1: {  	(tag) =	ssettag $0x0;
	lr =	simm.s32 $0x1  }
0x2: {  	[smem:$0x3F8D] =	sst lr;
	_ =	strace $0xD0000000  }
0x3: {  	_ = 	snop  }
0x4: {  	_ = 	snop  }
0x5: {  	_ = 	snop  }
0x6: {  	_ = 	snop  }
0x7: {  	_ = 	snop  }
__scs_overlays_trampoline_lowered:
0x8: {  	[smem:$0x3F9C] =	sst s0  }
0x9: {  	[smem:$0x3F9D] =	sst s1  }
0xa: {  	[smem:$0x3F9E] =	sst s2  }
0xb: {  	[smem:$0x3F9F] =	sst s3  }
0xc: {  	[smem:$0x3FA0] =	sst s4  }
0xd: {  	[smem:$0x3FA1] =	sst s5  }
0xe: {  	[smem:$0x3FA2] =	sst s6  }
0xf: {  	[smem:$0x3FA3] =	sst s7  }
0x10: {  	[smem:$0x3FA4] =	sst s8  }
0x11: {  	[smem:$0x3FA5] =	sst s9;
	s0 =	simm.s32 @!p0 $0x0  }
0x12: {  	s1 =	sld [smem:$0x3F8B];
	s0 =	simm.s32 @p0 $0x1  }
0x13: {  	[smem:$0x3FA6] =	sst s0;
	s0 =	simm.s32 @!p1 $0x0  }
0x14: {  	s2 =	sld [smem:$0x3F8A];
	s0 =	simm.s32 @p1 $0x1  }
0x15: {  	[smem:$0x3FA7] =	sst s0;
	s0 =	simm.s32 @!p2 $0x0  }
0x16: {  	s3 =	sld [smem:$0x3FDB];
	s0 =	simm.s32 @p2 $0x1  }
0x17: {  	s4 =	simm.s32 $0x1BF5;
	[smem:$0x3FA9] =	sst s0  }
0x18: {  	s0 =	sld [smem:$0x3F8C];
	_ =	swait.ge [sflag:s4], $0x0  }
0x19: {  	s7 =	sld [smem:$0x3F8D]  }
0x1a: {  	s8 =	sadd.s32 $0xFFFFE003, lr  }
0x1b: {  	s9 =	sadd.s32 $0xFFFFFEF7, lr;
	s5 =	simm.s32 $0xFFFFFFFF;
	p2 =	slt.u32 s8, $0xFFFFF086  }
0x1c: {  	p1 =	slt.u32 s9, $0xF7A;
	s5 =	simm.s32 @!p2 $0x0  }
0x1d: {  	s5 =	simm.s32 @p1 $0x1;
	p0 =	seq.s32 s7, s2  }
0x1e: {  	s7 =	smul.u32 @!p0 $0xF7A, s2;
	p2 =	seq.s32 @!p0 s5, $0x0  }
0x1f: {  	s9 =	smul.u32 $0xF7A, s1;
	s8 =	simm.s32 @!p0 $0x1BF5;
	p2 =	por !p2, p0  }
0x20: {  	[sflag:s8] =	ssyncset.s32 @!p0 $0xFFFFF086;
	s6 =	sadd.s32 @!p0 s3, s7;
	s7 =	simm.s32 @!p0 $0x108  }
0x21: {  	s3 =	sadd.s32 s3, s9;
	s6 =	sadd.s32 @!p0 $0x88, s6;
	s7 =	simm.s32 @p2 $0x1082  }
0x22: {  	[simem:s7], [sflag:s8] =	dma.local @!p0 [hbm:s6], $0xF7A  }
0x23: {  	s9 =	sor.u32 $0xD0000000, s2;
	s6 =	simm.s32 $0x108;
	_ =	swait.ge @!p0 [sflag:s8], $0x0  }
0x24: {  	s3 =	sadd.s32 $0x88, s3;
	s6 =	simm.s32 @!p1 $0x1082;
	[sflag:s4] =	ssyncset.s32 $0xFFFFF086  }
0x25: {  	[simem:s6], [sflag:s4] =	dma.local [hbm:s3], $0xF7A  }
0x26: {  	[smem:$0x3F8D] =	sst s1;
	(tag) =	ssettag s2;
	_ =	strace s9  }
0x27: {  	s1 =	sld [smem:$0x3F9D]  }
0x28: {  	s2 =	sld [smem:$0x3F9E]  }
0x29: {  	s4 =	sld [smem:$0x3FA0]  }
0x2a: {  	p0 =	seq.s32 s5, $0x0;
	s5 =	sld [smem:$0x3FA1]  }
0x2b: {  	s6 =	sld [smem:$0x3FA2]  }
0x2c: {  	s7 =	sld [smem:$0x3FA3]  }
0x2d: {  	s3 =	simm.s32 $0x108;
	s8 =	sld [smem:$0x3FA4]  }
0x2e: {  	s3 =	simm.s32 @!p0 $0x1082;
	s9 =	sld [smem:$0x3FA5]  }
0x2f: {  	lr =	sadd.s32 s0, s3;
	s0 =	sld [smem:$0x3F9C]  }
0x30: {  	s3 =	sld [smem:$0x3F9F]  }
0x31: {  	[smem:$0x3FA8] =	sst s10  }
0x32: {  	s10 =	sld [smem:$0x3FA6];
	_ =	sdelay $0x3  }
0x33: {  	p0 =	seq.s32 s10, $0x1;
	s10 =	sld [smem:$0x3FA8];
	_ =	sdelay $0x3  }
0x34: {  	[smem:$0x3FA8] =	sst s10  }
0x35: {  	s10 =	sld [smem:$0x3FA7];
	_ =	sdelay $0x3  }
0x36: {  	p1 =	seq.s32 s10, $0x1;
	s10 =	sld [smem:$0x3FA8];
	_ =	sdelay $0x3  }
0x37: {  	[smem:$0x3FA8] =	sst s10  }
0x38: {  	s10 =	sld [smem:$0x3FA9]  }
0x39: {  	_ = 	snop;
	(pc) =	sbr.ind lr, $3  }
0x3a: {  	_ = 	snop  }
0x3b: {  	_ = 	snop  }
0x3c: {  	p2 =	seq.s32 s10, $0x1;
	s10 =	sld [smem:$0x3FA8]  }
0x3d: {  	_ =	shalt  }
0x3e: {  	_ =	shalt  }
0x3f: {  	_ =	shalt  }
0x40: {  	_ =	shalt  }
0x41: {  	_ =	shalt  }
0x42: {  	_ =	shalt  }
0x43: {  	_ =	shalt  }
0x44: {  	_ =	shalt  }
0x45: {  	_ =	shalt  }
0x46: {  	_ =	shalt  }
0x47: {  	_ =	shalt  }
0x48: {  	_ =	shalt  }
0x49: {  	_ =	shalt  }
0x4a: {  	_ =	shalt  }
0x4b: {  	_ =	shalt  }
0x4c: {  	_ =	shalt  }
0x4d: {  	_ =	shalt  }
0x4e: {  	_ =	shalt  }
0x4f: {  	_ =	shalt  }
0x50: {  	_ =	shalt  }
0x51: {  	_ =	shalt  }
0x52: {  	_ =	shalt  }
0x53: {  	_ =	shalt  }
0x54: {  	_ =	shalt  }
0x55: {  	_ =	shalt  }
0x56: {  	_ =	shalt  }
0x57: {  	_ =	shalt  }
0x58: {  	_ =	shalt  }
0x59: {  	_ =	shalt  }
0x5a: {  	_ =	shalt  }
0x5b: {  	_ =	shalt  }
0x5c: {  	_ =	shalt  }
0x5d: {  	_ =	shalt  }
0x5e: {  	_ =	shalt  }
0x5f: {  	_ =	shalt  }
0x60: {  	_ =	shalt  }
0x61: {  	_ =	shalt  }
0x62: {  	_ =	shalt  }
0x63: {  	_ =	shalt  }
0x64: {  	_ =	shalt  }
0x65: {  	_ =	shalt  }
0x66: {  	_ =	shalt  }
0x67: {  	_ =	shalt  }
0x68: {  	_ =	shalt  }
0x69: {  	_ =	shalt  }
0x6a: {  	_ =	shalt  }
0x6b: {  	_ =	shalt  }
0x6c: {  	_ =	shalt  }
0x6d: {  	_ =	shalt  }
0x6e: {  	_ =	shalt  }
0x6f: {  	_ =	shalt  }
0x70: {  	_ =	shalt  }
0x71: {  	_ =	shalt  }
0x72: {  	_ =	shalt  }
0x73: {  	_ =	shalt  }
0x74: {  	_ =	shalt  }
0x75: {  	_ =	shalt  }
0x76: {  	_ =	shalt  }
0x77: {  	_ =	shalt  }
0x78: {  	_ =	shalt  }
0x79: {  	_ =	shalt  }
0x7a: {  	_ =	shalt  }
0x7b: {  	_ =	shalt  }
0x7c: {  	_ =	shalt  }
0x7d: {  	_ =	shalt  }
0x7e: {  	_ =	shalt  }
0x7f: {  	_ =	shalt  }
0x80: {  	_ =	shalt  }
0x81: {  	_ =	shalt  }
0x82: {  	_ =	shalt  }
0x83: {  	_ =	shalt  }
0x84: {  	_ =	shalt  }
0x85: {  	_ =	shalt  }
0x86: {  	_ =	shalt  }
0x87: {  	_ =	shalt  }
.Lfunc_end0:
.L_simem_size_0:
called_computation_lowered:
.L_overlay_start_0:
0x88: {  	s2 =	sld [smem:$0x3FD9]  }
0x89: {  	s3 =	sld [smem:$0x3FFE];
	_ =	sdelay $0x1  }
0x8a: {  	s1 =	srdreg.scid  }
0x8b: {  	s0 =	sand.u32 $0x1, s1  }
0x8c: {  	s16 =	sshll.u32 s0, $0xA;
	s2 =	sadd.s32 s3, s2  }
0x8d: {  	s2 =	sadd.s32 s2, s16  }
0x8e: {  	[smem:$0x3FB4] =	sst s2  }
0x8f: {  	_ = 	snop  }
0x90: {  	(tm) =	ssettm $0x1  }
0x91: {  	s17 =	sld [smem:$0x3FFB];
	_ =	sdelay $0x3  }
0x92: {  	_ =	strace s17  }
0x93: {  	s2 =	sld [smem:$0x3FFC];
	_ =	sdelay $0x3  }
0x94: {  	_ =	strace s2  }
0x95: {  	s2 =	sld [smem:$0x3FFD];
	_ =	sdelay $0x3  }
0x96: {  	_ =	strace s2  }
0x97: {  	_ =	strace $0x8FFFFFFF  }
0x98: {  	s18 =	sld [smem:$0x3FDB];
	_ =	sdelay $0x1  }
0x99: {  	s19 =	simm.s32 $_scs_section_size  }
0x9a: {  	s4 =	simm.s32 $_size__tile_overlayer_lowered;
	s5 =	simm.s32 $_tile_overlayer_lowered  }
0x9b: {  	s22 =	simm.s32 $0x1BFF;
	s21 =	sshll.u32 s5, $0x1;
	s2 =	sadd.s32 s19, s18  }
0x9c: {  	s6 =	simm.s32 $0x0;
	s20 =	sshll.u32 s4, $0x1;
	s4 =	sadd.s32 s21, s2  }
0x9d: {  	[timem:s6], [sflag:s22] =	dma.local [hbm:s4], s20  }
0x9e: {  	_ =	swait.ge [sflag:s22], s20  }
0x9f: {  	s3 =	ssub.s32 $0x0, s20;
	[sflag:s22] =	ssyncset.done $0x0  }
0xa0: {  	[sflag:s22] =	ssyncadd.s32 s3;
	_ =	sdelay $0x1  }
0xa1: {  	s23 =	simm.s32 $0x1B8B  }
0xa2: {  	_ =	swait.ge [sflag:s23], $0x1  }
0xa3: {  	[sflag:s23] =	ssyncset.done $0x0  }
0xa4: {  	s25 =	simm.s32 $0x1B8E;
	s24 =	sld [smem:$0x3FFE];
	[sflag:s23] =	ssyncadd.s32 $0xFFFFFFFF  }
0xa5: {  	s26 =	simm.s32 $execute0_lowered;
	[smem:$0x3FD2] =	sst s25  }
0xa6: {  	s4 =	sshll.u32 s26, $0x1;
	_ =	strace $0x80000046;
	[dreg:$0x1] =	wrdreg $0xFFFFFFFF  }
0xa7: {  	s28 =	simm.s32 $_size_execute0_lowered;
	s2 =	sadd.s32 s2, s4;
	[dreg:$0x0] =	wrdreg $0x0  }
0xa8: {  	s4 =	sshll.u32 s28, $0x1;
	[dreg:$0x2] =	wrdreg s2  }
0xa9: {  	[dreg:$0x3] =	wrdreg s4  }
0xaa: {  	[dreg:$0x4] =	wrdreg $0xC0  }
0xab: {  	_ =	task [dreg:s6], $0x5FFFF  }
0xac: {  	[dreg:$0x1] =	wrdreg $0xFFFFFFFF  }
0xad: {  	[dreg:$0x0] =	wrdreg $0x60  }
0xae: {  	[dreg:$0x2] =	wrdreg s24  }
0xaf: {  	[dreg:$0x3] =	wrdreg $0x9  }
0xb0: {  	_ =	task.clear_ibuf [dreg:s6], $0x4FFFF;
	_ =	strace $0x90000046  }
0xb1: {  	s29 =	simm.s32 $0x9;
	_ =	strace $0x80000048  }
0xb2: {  	_ =	swait.ge [sflag:s29], $0x1  }
0xb3: {  	[sflag:s29] =	ssyncadd.s32 $0xFFFFFFFF  }
0xb4: {  	_ =	strace $0x90000048  }
0xb5: {  	_ =	sfence  }
0xb6: {  	s30 =	sld [smem:$0x0];
	_ =	sdelay $0x2  }
0xb7: {  	s31 =	sshll.u32 s1, $0xD;
	s1 =	sshrl.u32 s1, $0x2  }
0xb8: {  	s3 =	sand.u32 $0x4000, s31;
	s1 =	sadd.s32 s1, s30  }
0xb9: {  	s0 =	sor.u32 s3, s0;
	s1 =	sshll.u32 s1, $0x11  }
0xba: {  	s0 =	sor.u32 s1, s0  }
0xbb: {  	s0 =	sadd.s32 $0x8F2B, s0  }
0xbc: {  	[sflag:s0] =	ssyncadd.remote.s32 $0x1  }
0xbd: {  	_ =	sfence.sel $0xFFFF  }
0xbe: {  	[dreg:$0x0] =	wrdreg $0xFFFFFFFF;
	(pc) =	sbr.abs _section_cstart, $3  }
0xbf: {  	[dreg:$0x1] =	wrdreg $0xFFFFFFFF  }
0xc0: {  	_ =	task.clear_ibuf [dreg:s6], $0x2FFFF;
	_ =	strace $0x9FFFFFFF  }
0xc1: {  	(tm) =	ssettm $0x7FFFFFFF  }
tec
execute0_lowered:
.L_overlay_start_1:
0x0: {  	(tag) =	ssettag $0x1  }
0x1: {  	s1 =	srdreg.scid;
	s0 =	stileid.u32  }
0x2: {  	s6 =	sand.u32 $0x1, s1;
	s30 =	sshll.u32 s0, $0x1  }
0x3: {  	s8 =	rddreg [dreg:$0x0];
	s7 =	sor.u32 s6, s30  }
0x4: {  	s2 =	simm.s32 $0x0;
	s1 =	rddreg [dreg:$0x1];
	s3 =	smul.u32 $0xF0, s7  }
0x5: {  	[smem:$0x7FF] =	sst s2;
	s5 =	sadd.s32 $0x5A00, s8  }
0x6: {  	_ =	strace $0x80000047;
	s10 =	ssub.s32 $0x2, s6;
	s3 =	sadd.s32 s3, s8  }
0x7: {  	s6 =	simm.s32 $0x780;
	s4 =	sadd.s32 $0x3C00, s3;
	s3 =	simm.s32 $0x2  }
0x8: {  	[tilespmem:s2], [sflag:$0x2] =	stream.linear.gather [hbm4b:s4+s2], $0x780, $0x38;
	[tilespmem:$0x7F80] =	vst v63  }
0x9: {  	s9 =	smul.u32 $0xF00, s7;
	s11 =	sshrl.u32 s10, $0x1;
	_ =	swait.ge [sflag:s3], $0x780  }
0xa: {  	s7 =	simm.s32 $0x1;
	s31 =	ssub.s32 s10, s11;
	[sflag:s3] =	ssyncset.done $0x0  }
0xb: {  	s8 =	sadd.s32 s9, s8;
	s9 =	smax.u32 s31, $0x1;
	[sflag:s3] =	ssyncadd.s32 $0xFFFFF880  }
0xc: {  	[tilespmem:s6], [sflag:$0x1] =	stream.indirect.gather [hbm4b:s5+s6], $0x10, s2, s6, $0xb8;
	[tilespmem:$0x7F80] =	vst v63  }
0xd: {  	p0 =	sne.s32 s9, $0x1;
	_ =	swait.ge [sflag:s7], $0x7800  }
.Ltmp0:
0xe: {  	[sflag:s7] =	ssyncset.done $0x0;
	(pc) =	sbr.rel @!p0 .LBB2_2-.Ltmp0, $4  }
0xf: {  	s8 =	sadd.s32 $0x6200, s8;
	[sflag:s7] =	ssyncadd.s32 $0xFFFF8800  }
0x10: {  	[hbm4b:s8+s2] =	stream.linear.scatter [tilespmem:s6], [sflag:$0x2], $0x7800, $0x38;
	[tilespmem:$0x7F80] =	vst v63  }
0x11: {  	_ =	swait.ge [sflag:s3], $0x7800  }
0x12: {  	s9 =	sadd.s32 $0xFFFFFFFF, s9;
	[sflag:s3] =	ssyncset.done $0x0  }
.LBB2_1:
0x13: {  	p0 =	sne.s32 s9, $0x1;
	s9 =	sadd.s32 $0xFFFFFFFF, s9;
	[sflag:s3] =	ssyncadd.s32 $0xFFFF8800  }
0x14: {  	[tilespmem:s2], [sflag:$0x2] =	stream.linear.gather [hbm4b:s4+s2], $0x780, $0x38;
	[tilespmem:$0x7F80] =	vst v63  }
0x15: {  	_ =	swait.ge [sflag:s3], $0x780  }
0x16: {  	[sflag:s3] =	ssyncset.done $0x0  }
0x17: {  	[sflag:s3] =	ssyncadd.s32 $0xFFFFF880  }
0x18: {  	[tilespmem:s6], [sflag:$0x1] =	stream.indirect.gather [hbm4b:s5+s6], $0x10, s2, s6, $0xb8;
	[tilespmem:$0x7F80] =	vst v63  }
0x19: {  	_ =	swait.ge [sflag:s7], $0x7800  }
.Ltmp1:
0x1a: {  	[sflag:s7] =	ssyncset.done $0x0;
	(pc) =	sbr.rel @p0 .LBB2_1-.Ltmp1, $4  }
0x1b: {  	[sflag:s7] =	ssyncadd.s32 $0xFFFF8800  }
0x1c: {  	[hbm4b:s8+s2] =	stream.linear.scatter [tilespmem:s6], [sflag:$0x2], $0x7800, $0x38;
	[tilespmem:$0x7F80] =	vst v63  }
0x1d: {  	_ =	swait.ge [sflag:s3], $0x7800  }
0x1e: {  	[sflag:s3] =	ssyncset.done $0x0  }
.LBB2_2:
0x1f: {  	[sflag:s3] =	ssyncadd.s32 $0xFFFF8800  }
0x20: {  	_ =	sfence.sel $0x180000  }
0x21: {  	[bflag:$0x0] =	sbarrier.arrive $0xFFFF  }
0x22: {  	p0 =	sne.s32 s0, $0x0;
	_ =	strace $0x90000047  }
0x23: {  	s0 =	sadd.s32 @!p0 $0x100000, s1;
	[bflag:$0x2] =	sbarrier.arrive $0xFFFF  }
0x24: {  	[sflag:s0] =	ssyncadd.tile.s32 @!p0 $0x1;
	_ =	shalt  }
.Lfunc_end2:
_tile_overlayer_lowered:
.L_overlay_start_2:
0x25: {  	(tag) =	ssettag $0x2  }
0x26: {  	s0 =	rddreg [dreg:$0x0];
	s2 =	stileid.u32  }
0x27: {  	s1 =	rddreg [dreg:$0x1];
	p0 =	sne.s32 s2, $0x0  }
0x28: {  	s3 =	rddreg [dreg:$0x2];
	[bflag:$0x3] =	sbarrier.arrive $0xFFFF;
	s2 =	simm.s32 @!p0 $0x1C02  }
0x29: {  	[timem:s3], [sflag:s2] =	dma.local @!p0 [hbm:s0], s1  }
0x2a: {  	s0 =	simm.s32 @!p0 $0x2  }
0x2b: {  	_ =	swait.ge @!p0 [sflag:s0], s1  }
0x2c: {  	s1 =	ssub.s32 @!p0 $0x0, s1;
	[sflag:s0] =	ssyncset.done @!p0 $0x0  }
0x2d: {  	[sflag:s0] =	ssyncadd.s32 @!p0 s1  }
0x2e: {  	[bflag:$0x3] =	sbarrier.arrive $0xFFFF  }
0x2f: {  	_ =	shalt  }

</sc_bundles>
